<compile_context>
chip_gen: v7x
topology: tpu7x:2x2x1
jax: 0.10.2.dev20260603
libtpu: 0.0.44.dev20260713+nightly
codegen_flags: <defaults>
</compile_context>

<pallas_src>
import functools

import jax
import jax.numpy as jnp
from jax import lax
from jax.experimental import pallas as pl
from jax.experimental.pallas import tpu as pltpu
from jax.experimental.pallas import tpu_sc as plsc

D_MODEL = 64
PADDED = 128
SCALE = 8.0

NC = 2
NS = 16
NW = NC * NS

LANES = 16
NB = 2


def _make_sc_gather(n_rows: int, seq: int):
    rows_per_w = n_rows // NW
    n_chunks = rows_per_w
    n_blocks = n_chunks // NB
    split = [(0, 128), (128, seq - 128)] if seq > 128 else [(0, seq)]
    assert n_chunks % NB == 0 and n_blocks >= 2
    assert all(ln % 8 == 0 for _, ln in split)

    mesh = plsc.VectorSubcoreMesh(core_axis_name="c", subcore_axis_name="s")

    @functools.partial(
        pl.kernel,
        out_type=jax.ShapeDtypeStruct((n_rows * seq, D_MODEL), jnp.float32),
        mesh=mesh,
        scratch_types=[
            pltpu.VMEM((rows_per_w * seq,), jnp.int32),
            pltpu.VMEM((NB, seq, PADDED), jnp.float32),
            pltpu.VMEM((NB, seq, D_MODEL), jnp.float32),
            [pltpu.SemaphoreType.DMA] * NB,
            [pltpu.SemaphoreType.DMA] * NB,
        ],
        compiler_params=pltpu.CompilerParams(use_tc_tiling_on_sc=True),
    )
    def sc_kernel(idx_hbm, table_hbm, out_hbm, idx_v, gbuf, sbuf, gsems, ssems):
        wid = lax.axis_index("s") * NC + lax.axis_index("c")
        row0 = wid * rows_per_w
        pltpu.sync_copy(idx_hbm.at[pl.ds(row0 * seq, rows_per_w * seq)], idx_v)

        def fire_gather(chunk, b):
            for off, ln in split:
                pltpu.async_copy(
                    table_hbm.at[idx_v.at[pl.ds(chunk * seq + off, ln)]],
                    gbuf.at[b, pl.ds(off, ln)], gsems[b])

        def wait_gather(b):
            for off, ln in split:
                pltpu.make_async_copy(
                    table_hbm.at[idx_v.at[pl.ds(0, ln)]],
                    gbuf.at[b, pl.ds(off, ln)], gsems[b]).wait()

        def fire_scatter(chunk, b):
            pltpu.async_copy(
                sbuf.at[b], out_hbm.at[pl.ds((row0 + chunk) * seq, seq)],
                ssems[b])

        def wait_scatter(b):
            pltpu.make_async_copy(
                sbuf.at[b], out_hbm.at[pl.ds(0, seq)], ssems[b]).wait()

        def scale(b):
            g, s = gbuf.at[b], sbuf.at[b]

            @plsc.parallel_loop(0, seq, unroll=4)
            def _(r):
                for q in range(D_MODEL // LANES):
                    sl = pl.ds(q * LANES, LANES)
                    s[r, sl] = g[r, sl] * SCALE

        def process(chunk, b, first, last):
            wait_gather(b)
            if not first:
                wait_scatter(b)
            scale(b)
            fire_scatter(chunk, b)
            if not last:
                fire_gather(chunk + NB, b)

        for b in range(NB):
            fire_gather(b, b)
        for b in range(NB):
            process(b, b, first=True, last=False)

        @pl.loop(1, n_blocks - 1)
        def _(j):
            base = j * NB
            for b in range(NB):
                process(base + b, b, first=False, last=False)

        for b in range(NB):
            process((n_blocks - 1) * NB + b, b, first=False, last=True)
        for b in range(NB):
            wait_scatter(b)

    return sc_kernel


def kernel(x, table):
    n_rows, seq = x.shape
    table_p = jnp.pad(table, ((0, 0), (0, PADDED - D_MODEL)))
    out = _make_sc_gather(n_rows, seq)(x.reshape(-1), table_p)
    return out.reshape(n_rows, seq, D_MODEL)

# --- scband reference (transcript-rebuilt; emitter-appended) ---
"""Pipeline reference for scband-input-embeddings-17806934409878 (READ-ONLY COPY).

The authoritative reference and input builder live on the scoring server;
editing this copy changes nothing except your own understanding.
"""

import jax, jax.numpy as jnp
import numpy as np

D_MODEL = 64
VOCAB_SIZE = 1000000

def setup_inputs(seed: int = 0) -> dict:
    key = jax.random.key(seed)
    k1, k2 = jax.random.split(key)
    x = jax.random.randint(k1, (4096, 200), 0, VOCAB_SIZE, dtype=jnp.int64 if jax.config.jax_enable_x64 else jnp.int32)
    table = jax.random.normal(k2, (VOCAB_SIZE, D_MODEL), dtype=jnp.float32) * 0.02
    return {"x": x, "table": table}

def reference(x, table):
    # Faithful translation of InputEmbeddings.call:
    # embedding lookup followed by scaling with sqrt(d_model)
    emb = jnp.take(table, x, axis=0)
    return emb * jnp.sqrt(jnp.asarray(D_MODEL, dtype=jnp.float32))

if __name__ == "__main__":
    import jax
    _d = setup_inputs()
    print(jax.jit(kernel)(*tuple(_d.values())))

</pallas_src>

<mosaic_0001>
#map = affine_map<(d0, d1) -> (0)>
#map1 = affine_map<(d0, d1) -> (0, 0)>
module attributes {stable_mosaic.version = 14 : i64} {
  func.func @sc_kernel(%arg0: i32, %arg1: i32, %arg2: memref<819200xi32, #tpu.memory_space<hbm>>, %arg3: memref<1000000x128xf32, #tpu.memory_space<hbm>>, %arg4: memref<819200x64xf32, #tpu.memory_space<hbm>>, %arg5: memref<25600xi32, #tpu.memory_space<vmem>>, %arg6: memref<2x200x128xf32, #tpu.memory_space<vmem>>, %arg7: memref<2x200x64xf32, #tpu.memory_space<vmem>>, %arg8: memref<!tpu.dma_semaphore, #tpu.memory_space<semaphore_mem>>, %arg9: memref<!tpu.dma_semaphore, #tpu.memory_space<semaphore_mem>>, %arg10: memref<!tpu.dma_semaphore, #tpu.memory_space<semaphore_mem>>, %arg11: memref<!tpu.dma_semaphore, #tpu.memory_space<semaphore_mem>>) attributes {dimension_semantics = [#tpu.dimension_semantics<core_parallel>, #tpu.dimension_semantics<subcore_parallel>], iteration_bounds = array<i64: 2, 16>, scalar_prefetch = 0 : i64, scratch_operands = 7 : i64, tpu.core_type = #tpu.core_type<sc_vector_subcore>, window_params = [{transform_indices = #map}, {transform_indices = #map1}, {transform_indices = #map1}]} {
    %mul3A = arith.constant 2 : i32
    %mul3A_0 = arith.muli %arg1, %mul3A : i32
    %add3A = arith.addi %mul3A_0, %arg0 : i32
    %mul3A_1 = arith.constant 128 : i32
    %mul3A_2 = arith.muli %add3A, %mul3A_1 : i32
    %mul3A_3 = arith.constant 200 : i32
    %mul3A_4 = arith.muli %mul3A_2, %mul3A_3 : i32
    "tpu.region"() ({
      %run_scoped3A = tpu.sem_alloc : memref<!tpu.dma_semaphore, #tpu.memory_space<semaphore_mem>>
      %dma_start3A_314 = tpu.memref_slice %arg2[%mul3A_4] : memref<819200xi32, #tpu.memory_space<hbm>> -> memref<25600xi32, #tpu.memory_space<hbm>>
      %dma_start3A_315 = tpu.memref_slice %arg2[%mul3A_4] : memref<819200xi32, #tpu.memory_space<hbm>> -> memref<25600xi32, #tpu.memory_space<hbm>>
      tpu.enqueue_dma source(%dma_start3A_315 : memref<25600xi32, #tpu.memory_space<hbm>>) target(%arg5 : memref<25600xi32, #tpu.memory_space<vmem>>) target_semaphore(%run_scoped3A : memref<!tpu.dma_semaphore, #tpu.memory_space<semaphore_mem>>)
      %dma_wait3A_316 = tpu.memref_slice %arg2[%mul3A_4] : memref<819200xi32, #tpu.memory_space<hbm>> -> memref<25600xi32, #tpu.memory_space<hbm>>
      %dma_wait3A_317 = tpu.memref_slice %arg2[%mul3A_4] : memref<819200xi32, #tpu.memory_space<hbm>> -> memref<25600xi32, #tpu.memory_space<hbm>>
      tpu.wait_dma2 semaphore(%run_scoped3A : memref<!tpu.dma_semaphore, #tpu.memory_space<semaphore_mem>>) src(%dma_wait3A_317 : memref<25600xi32, #tpu.memory_space<hbm>>) dst(%arg5 : memref<25600xi32, #tpu.memory_space<vmem>>)
      tpu.yield
    }) : () -> ()
    %dma_start3A = arith.constant 0 : i32
    %dma_start3A_5 = arith.constant 0 : i32
    %dma_start3A_6 = arith.constant 0 : i32
    %dma_start3A_7 = tpu.memref_slice %arg6[%dma_start3A, %dma_start3A_5, %dma_start3A_6] : memref<2x200x128xf32, #tpu.memory_space<vmem>> -> memref<1x128x128xf32, #tpu.memory_space<vmem>>
    %dma_start3A_8 = tpu.memref_squeeze %dma_start3A_7 : memref<1x128x128xf32, #tpu.memory_space<vmem>> -> memref<128x128xf32, #tpu.memory_space<vmem>>
    %dma_start3A_9 = arith.constant 0 : i32
    %dma_start3A_10 = tpu.memref_slice %arg5[%dma_start3A_9] : memref<25600xi32, #tpu.memory_space<vmem>> -> memref<128xi32, #tpu.memory_space<vmem>>
    %dma_start3A_11 = arith.constant 0 : i32
    %dma_start3A_12 = arith.constant 0 : i32
    %dma_start3A_13 = tpu.memref_slice %arg3[%dma_start3A_11, %dma_start3A_12] : memref<1000000x128xf32, #tpu.memory_space<hbm>> -> memref<1000000x128xf32, #tpu.memory_space<hbm>>
    tpu.enqueue_indirect_dma source(%dma_start3A_13 : memref<1000000x128xf32, #tpu.memory_space<hbm>>) target(%dma_start3A_8 : memref<128x128xf32, #tpu.memory_space<vmem>>) offsets(%dma_start3A_10 : memref<128xi32, #tpu.memory_space<vmem>>) semaphore(%arg8 : memref<!tpu.dma_semaphore, #tpu.memory_space<semaphore_mem>>)
    %dma_start3A_14 = arith.constant 0 : i32
    %dma_start3A_15 = arith.constant 128 : i32
    %dma_start3A_16 = arith.constant 0 : i32
    %dma_start3A_17 = tpu.memref_slice %arg6[%dma_start3A_14, %dma_start3A_15, %dma_start3A_16] : memref<2x200x128xf32, #tpu.memory_space<vmem>> -> memref<1x72x128xf32, #tpu.memory_space<vmem>>
    %dma_start3A_18 = tpu.memref_squeeze %dma_start3A_17 : memref<1x72x128xf32, #tpu.memory_space<vmem>> -> memref<72x128xf32, #tpu.memory_space<vmem>>
    %dma_start3A_19 = arith.constant 128 : i32
    %dma_start3A_20 = tpu.memref_slice %arg5[%dma_start3A_19] : memref<25600xi32, #tpu.memory_space<vmem>> -> memref<72xi32, #tpu.memory_space<vmem>>
    %dma_start3A_21 = arith.constant 0 : i32
    %dma_start3A_22 = arith.constant 0 : i32
    %dma_start3A_23 = tpu.memref_slice %arg3[%dma_start3A_21, %dma_start3A_22] : memref<1000000x128xf32, #tpu.memory_space<hbm>> -> memref<1000000x128xf32, #tpu.memory_space<hbm>>
    tpu.enqueue_indirect_dma source(%dma_start3A_23 : memref<1000000x128xf32, #tpu.memory_space<hbm>>) target(%dma_start3A_18 : memref<72x128xf32, #tpu.memory_space<vmem>>) offsets(%dma_start3A_20 : memref<72xi32, #tpu.memory_space<vmem>>) semaphore(%arg8 : memref<!tpu.dma_semaphore, #tpu.memory_space<semaphore_mem>>)
    %dma_start3A_24 = arith.constant 1 : i32
    %dma_start3A_25 = arith.constant 0 : i32
    %dma_start3A_26 = arith.constant 0 : i32
    %dma_start3A_27 = tpu.memref_slice %arg6[%dma_start3A_24, %dma_start3A_25, %dma_start3A_26] : memref<2x200x128xf32, #tpu.memory_space<vmem>> -> memref<1x128x128xf32, #tpu.memory_space<vmem>>
    %dma_start3A_28 = tpu.memref_squeeze %dma_start3A_27 : memref<1x128x128xf32, #tpu.memory_space<vmem>> -> memref<128x128xf32, #tpu.memory_space<vmem>>
    %dma_start3A_29 = arith.constant 200 : i32
    %dma_start3A_30 = tpu.memref_slice %arg5[%dma_start3A_29] : memref<25600xi32, #tpu.memory_space<vmem>> -> memref<128xi32, #tpu.memory_space<vmem>>
    %dma_start3A_31 = arith.constant 0 : i32
    %dma_start3A_32 = arith.constant 0 : i32
    %dma_start3A_33 = tpu.memref_slice %arg3[%dma_start3A_31, %dma_start3A_32] : memref<1000000x128xf32, #tpu.memory_space<hbm>> -> memref<1000000x128xf32, #tpu.memory_space<hbm>>
    tpu.enqueue_indirect_dma source(%dma_start3A_33 : memref<1000000x128xf32, #tpu.memory_space<hbm>>) target(%dma_start3A_28 : memref<128x128xf32, #tpu.memory_space<vmem>>) offsets(%dma_start3A_30 : memref<128xi32, #tpu.memory_space<vmem>>) semaphore(%arg9 : memref<!tpu.dma_semaphore, #tpu.memory_space<semaphore_mem>>)
    %dma_start3A_34 = arith.constant 1 : i32
    %dma_start3A_35 = arith.constant 128 : i32
    %dma_start3A_36 = arith.constant 0 : i32
    %dma_start3A_37 = tpu.memref_slice %arg6[%dma_start3A_34, %dma_start3A_35, %dma_start3A_36] : memref<2x200x128xf32, #tpu.memory_space<vmem>> -> memref<1x72x128xf32, #tpu.memory_space<vmem>>
    %dma_start3A_38 = tpu.memref_squeeze %dma_start3A_37 : memref<1x72x128xf32, #tpu.memory_space<vmem>> -> memref<72x128xf32, #tpu.memory_space<vmem>>
    %dma_start3A_39 = arith.constant 328 : i32
    %dma_start3A_40 = tpu.memref_slice %arg5[%dma_start3A_39] : memref<25600xi32, #tpu.memory_space<vmem>> -> memref<72xi32, #tpu.memory_space<vmem>>
    %dma_start3A_41 = arith.constant 0 : i32
    %dma_start3A_42 = arith.constant 0 : i32
    %dma_start3A_43 = tpu.memref_slice %arg3[%dma_start3A_41, %dma_start3A_42] : memref<1000000x128xf32, #tpu.memory_space<hbm>> -> memref<1000000x128xf32, #tpu.memory_space<hbm>>
    tpu.enqueue_indirect_dma source(%dma_start3A_43 : memref<1000000x128xf32, #tpu.memory_space<hbm>>) target(%dma_start3A_38 : memref<72x128xf32, #tpu.memory_space<vmem>>) offsets(%dma_start3A_40 : memref<72xi32, #tpu.memory_space<vmem>>) semaphore(%arg9 : memref<!tpu.dma_semaphore, #tpu.memory_space<semaphore_mem>>)
    %dma_wait3A = arith.constant 0 : i32
    %dma_wait3A_44 = arith.constant 0 : i32
    %dma_wait3A_45 = arith.constant 0 : i32
    %dma_wait3A_46 = tpu.memref_slice %arg6[%dma_wait3A, %dma_wait3A_44, %dma_wait3A_45] : memref<2x200x128xf32, #tpu.memory_space<vmem>> -> memref<1x128x128xf32, #tpu.memory_space<vmem>>
    %dma_wait3A_47 = tpu.memref_squeeze %dma_wait3A_46 : memref<1x128x128xf32, #tpu.memory_space<vmem>> -> memref<128x128xf32, #tpu.memory_space<vmem>>
    %dma_wait3A_48 = arith.constant 0 : i32
    %dma_wait3A_49 = tpu.memref_slice %arg5[%dma_wait3A_48] : memref<25600xi32, #tpu.memory_space<vmem>> -> memref<128xi32, #tpu.memory_space<vmem>>
    %dma_wait3A_50 = arith.constant 0 : i32
    %dma_wait3A_51 = arith.constant 0 : i32
    %dma_wait3A_52 = tpu.memref_slice %arg3[%dma_wait3A_50, %dma_wait3A_51] : memref<1000000x128xf32, #tpu.memory_space<hbm>> -> memref<1000000x128xf32, #tpu.memory_space<hbm>>
    tpu.wait_indirect_dma semaphore(%arg8 : memref<!tpu.dma_semaphore, #tpu.memory_space<semaphore_mem>>) src(%dma_wait3A_52 : memref<1000000x128xf32, #tpu.memory_space<hbm>>) dst(%dma_wait3A_47 : memref<128x128xf32, #tpu.memory_space<vmem>>)
    %dma_wait3A_53 = arith.constant 0 : i32
    %dma_wait3A_54 = arith.constant 128 : i32
    %dma_wait3A_55 = arith.constant 0 : i32
    %dma_wait3A_56 = tpu.memref_slice %arg6[%dma_wait3A_53, %dma_wait3A_54, %dma_wait3A_55] : memref<2x200x128xf32, #tpu.memory_space<vmem>> -> memref<1x72x128xf32, #tpu.memory_space<vmem>>
    %dma_wait3A_57 = tpu.memref_squeeze %dma_wait3A_56 : memref<1x72x128xf32, #tpu.memory_space<vmem>> -> memref<72x128xf32, #tpu.memory_space<vmem>>
    %dma_wait3A_58 = arith.constant 0 : i32
    %dma_wait3A_59 = tpu.memref_slice %arg5[%dma_wait3A_58] : memref<25600xi32, #tpu.memory_space<vmem>> -> memref<72xi32, #tpu.memory_space<vmem>>
    %dma_wait3A_60 = arith.constant 0 : i32
    %dma_wait3A_61 = arith.constant 0 : i32
    %dma_wait3A_62 = tpu.memref_slice %arg3[%dma_wait3A_60, %dma_wait3A_61] : memref<1000000x128xf32, #tpu.memory_space<hbm>> -> memref<1000000x128xf32, #tpu.memory_space<hbm>>
    tpu.wait_indirect_dma semaphore(%arg8 : memref<!tpu.dma_semaphore, #tpu.memory_space<semaphore_mem>>) src(%dma_wait3A_62 : memref<1000000x128xf32, #tpu.memory_space<hbm>>) dst(%dma_wait3A_57 : memref<72x128xf32, #tpu.memory_space<vmem>>)
    %parallel_loop3A = arith.constant 0 : i32
    %parallel_loop3A_63 = arith.constant 200 : i32
    %parallel_loop3A_64 = arith.constant 1 : i32
    %parallel_loop3A_65 = arith.constant 0 : i32
    %parallel_loop3A_66 = arith.constant 0 : i32
    scf.for %parallel_loop3A_314 = %parallel_loop3A to %parallel_loop3A_63 step %parallel_loop3A_64  : i32 {
      %parallel_loop3A_315 = arith.constant 0 : i32
      %parallel_loop3A_316 = arith.constant 0 : i32
      %parallel_loop3A_317 = tpu.memref_slice %arg6[%parallel_loop3A_65, %parallel_loop3A_315, %parallel_loop3A_316] : memref<2x200x128xf32, #tpu.memory_space<vmem>> -> memref<1x200x128xf32, #tpu.memory_space<vmem>>
      %parallel_loop3A_318 = tpu.memref_squeeze %parallel_loop3A_317 : memref<1x200x128xf32, #tpu.memory_space<vmem>> -> memref<200x128xf32, #tpu.memory_space<vmem>>
      %parallel_loop3A_319 = arith.index_cast %parallel_loop3A_314 : i32 to index
      %parallel_loop3A_320 = arith.constant 0 : index
      %parallel_loop3A_321 = tpu.vector_load %parallel_loop3A_318[%parallel_loop3A_319, %parallel_loop3A_320] {strides = array<i32>} : memref<200x128xf32, #tpu.memory_space<vmem>>, vector<1x16xf32>,
      %parallel_loop3A_322 = vector.shape_cast %parallel_loop3A_321 : vector<1x16xf32> to vector<16xf32>
      %parallel_loop3A_323 = arith.constant 8.000000e+00 : f32
      %parallel_loop3A_324 = vector.broadcast %parallel_loop3A_323 : f32 to vector<16xf32>
      %parallel_loop3A_325 = arith.mulf %parallel_loop3A_322, %parallel_loop3A_324 : vector<16xf32>
      %parallel_loop3A_326 = arith.constant 0 : i32
      %parallel_loop3A_327 = arith.constant 0 : i32
      %parallel_loop3A_328 = tpu.memref_slice %arg7[%parallel_loop3A_66, %parallel_loop3A_326, %parallel_loop3A_327] : memref<2x200x64xf32, #tpu.memory_space<vmem>> -> memref<1x200x64xf32, #tpu.memory_space<vmem>>
      %parallel_loop3A_329 = tpu.memref_squeeze %parallel_loop3A_328 : memref<1x200x64xf32, #tpu.memory_space<vmem>> -> memref<200x64xf32, #tpu.memory_space<vmem>>
      %parallel_loop3A_330 = arith.index_cast %parallel_loop3A_314 : i32 to index
      %parallel_loop3A_331 = arith.constant 0 : index
      %parallel_loop3A_332 = tpu.vector_load %parallel_loop3A_329[%parallel_loop3A_330, %parallel_loop3A_331] {strides = array<i32>} : memref<200x64xf32, #tpu.memory_space<vmem>>, vector<1x16xf32>,
      %parallel_loop3A_333 = vector.shape_cast %parallel_loop3A_332 : vector<1x16xf32> to vector<16xf32>
      %parallel_loop3A_334 = vector.shape_cast %parallel_loop3A_325 : vector<16xf32> to vector<1x16xf32>
      tpu.vector_store %parallel_loop3A_329[%parallel_loop3A_330, %parallel_loop3A_331], %parallel_loop3A_334 {strides = array<i32>} : memref<200x64xf32, #tpu.memory_space<vmem>>, vector<1x16xf32>,
      %parallel_loop3A_335 = arith.constant 0 : i32
      %parallel_loop3A_336 = arith.constant 0 : i32
      %parallel_loop3A_337 = tpu.memref_slice %arg6[%parallel_loop3A_65, %parallel_loop3A_335, %parallel_loop3A_336] : memref<2x200x128xf32, #tpu.memory_space<vmem>> -> memref<1x200x128xf32, #tpu.memory_space<vmem>>
      %parallel_loop3A_338 = tpu.memref_squeeze %parallel_loop3A_337 : memref<1x200x128xf32, #tpu.memory_space<vmem>> -> memref<200x128xf32, #tpu.memory_space<vmem>>
      %parallel_loop3A_339 = arith.index_cast %parallel_loop3A_314 : i32 to index
      %parallel_loop3A_340 = arith.constant 16 : index
      %parallel_loop3A_341 = tpu.vector_load %parallel_loop3A_338[%parallel_loop3A_339, %parallel_loop3A_340] {strides = array<i32>} : memref<200x128xf32, #tpu.memory_space<vmem>>, vector<1x16xf32>,
      %parallel_loop3A_342 = vector.shape_cast %parallel_loop3A_341 : vector<1x16xf32> to vector<16xf32>
      %parallel_loop3A_343 = arith.constant 8.000000e+00 : f32
      %parallel_loop3A_344 = vector.broadcast %parallel_loop3A_343 : f32 to vector<16xf32>
      %parallel_loop3A_345 = arith.mulf %parallel_loop3A_342, %parallel_loop3A_344 : vector<16xf32>
      %parallel_loop3A_346 = arith.constant 0 : i32
      %parallel_loop3A_347 = arith.constant 0 : i32
      %parallel_loop3A_348 = tpu.memref_slice %arg7[%parallel_loop3A_66, %parallel_loop3A_346, %parallel_loop3A_347] : memref<2x200x64xf32, #tpu.memory_space<vmem>> -> memref<1x200x64xf32, #tpu.memory_space<vmem>>
      %parallel_loop3A_349 = tpu.memref_squeeze %parallel_loop3A_348 : memref<1x200x64xf32, #tpu.memory_space<vmem>> -> memref<200x64xf32, #tpu.memory_space<vmem>>
      %parallel_loop3A_350 = arith.index_cast %parallel_loop3A_314 : i32 to index
      %parallel_loop3A_351 = arith.constant 16 : index
      %parallel_loop3A_352 = tpu.vector_load %parallel_loop3A_349[%parallel_loop3A_350, %parallel_loop3A_351] {strides = array<i32>} : memref<200x64xf32, #tpu.memory_space<vmem>>, vector<1x16xf32>,
      %parallel_loop3A_353 = vector.shape_cast %parallel_loop3A_352 : vector<1x16xf32> to vector<16xf32>
      %parallel_loop3A_354 = vector.shape_cast %parallel_loop3A_345 : vector<16xf32> to vector<1x16xf32>
      tpu.vector_store %parallel_loop3A_349[%parallel_loop3A_350, %parallel_loop3A_351], %parallel_loop3A_354 {strides = array<i32>} : memref<200x64xf32, #tpu.memory_space<vmem>>, vector<1x16xf32>,
      %parallel_loop3A_355 = arith.constant 0 : i32
      %parallel_loop3A_356 = arith.constant 0 : i32
      %parallel_loop3A_357 = tpu.memref_slice %arg6[%parallel_loop3A_65, %parallel_loop3A_355, %parallel_loop3A_356] : memref<2x200x128xf32, #tpu.memory_space<vmem>> -> memref<1x200x128xf32, #tpu.memory_space<vmem>>
      %parallel_loop3A_358 = tpu.memref_squeeze %parallel_loop3A_357 : memref<1x200x128xf32, #tpu.memory_space<vmem>> -> memref<200x128xf32, #tpu.memory_space<vmem>>
      %parallel_loop3A_359 = arith.index_cast %parallel_loop3A_314 : i32 to index
      %parallel_loop3A_360 = arith.constant 32 : index
      %parallel_loop3A_361 = tpu.vector_load %parallel_loop3A_358[%parallel_loop3A_359, %parallel_loop3A_360] {strides = array<i32>} : memref<200x128xf32, #tpu.memory_space<vmem>>, vector<1x16xf32>,
      %parallel_loop3A_362 = vector.shape_cast %parallel_loop3A_361 : vector<1x16xf32> to vector<16xf32>
      %parallel_loop3A_363 = arith.constant 8.000000e+00 : f32
      %parallel_loop3A_364 = vector.broadcast %parallel_loop3A_363 : f32 to vector<16xf32>
      %parallel_loop3A_365 = arith.mulf %parallel_loop3A_362, %parallel_loop3A_364 : vector<16xf32>
      %parallel_loop3A_366 = arith.constant 0 : i32
      %parallel_loop3A_367 = arith.constant 0 : i32
      %parallel_loop3A_368 = tpu.memref_slice %arg7[%parallel_loop3A_66, %parallel_loop3A_366, %parallel_loop3A_367] : memref<2x200x64xf32, #tpu.memory_space<vmem>> -> memref<1x200x64xf32, #tpu.memory_space<vmem>>
      %parallel_loop3A_369 = tpu.memref_squeeze %parallel_loop3A_368 : memref<1x200x64xf32, #tpu.memory_space<vmem>> -> memref<200x64xf32, #tpu.memory_space<vmem>>
      %parallel_loop3A_370 = arith.index_cast %parallel_loop3A_314 : i32 to index
      %parallel_loop3A_371 = arith.constant 32 : index
      %parallel_loop3A_372 = tpu.vector_load %parallel_loop3A_369[%parallel_loop3A_370, %parallel_loop3A_371] {strides = array<i32>} : memref<200x64xf32, #tpu.memory_space<vmem>>, vector<1x16xf32>,
      %parallel_loop3A_373 = vector.shape_cast %parallel_loop3A_372 : vector<1x16xf32> to vector<16xf32>
      %parallel_loop3A_374 = vector.shape_cast %parallel_loop3A_365 : vector<16xf32> to vector<1x16xf32>
      tpu.vector_store %parallel_loop3A_369[%parallel_loop3A_370, %parallel_loop3A_371], %parallel_loop3A_374 {strides = array<i32>} : memref<200x64xf32, #tpu.memory_space<vmem>>, vector<1x16xf32>,
      %parallel_loop3A_375 = arith.constant 0 : i32
      %parallel_loop3A_376 = arith.constant 0 : i32
      %parallel_loop3A_377 = tpu.memref_slice %arg6[%parallel_loop3A_65, %parallel_loop3A_375, %parallel_loop3A_376] : memref<2x200x128xf32, #tpu.memory_space<vmem>> -> memref<1x200x128xf32, #tpu.memory_space<vmem>>
      %parallel_loop3A_378 = tpu.memref_squeeze %parallel_loop3A_377 : memref<1x200x128xf32, #tpu.memory_space<vmem>> -> memref<200x128xf32, #tpu.memory_space<vmem>>
      %parallel_loop3A_379 = arith.index_cast %parallel_loop3A_314 : i32 to index
      %parallel_loop3A_380 = arith.constant 48 : index
      %parallel_loop3A_381 = tpu.vector_load %parallel_loop3A_378[%parallel_loop3A_379, %parallel_loop3A_380] {strides = array<i32>} : memref<200x128xf32, #tpu.memory_space<vmem>>, vector<1x16xf32>,
      %parallel_loop3A_382 = vector.shape_cast %parallel_loop3A_381 : vector<1x16xf32> to vector<16xf32>
      %parallel_loop3A_383 = arith.constant 8.000000e+00 : f32
      %parallel_loop3A_384 = vector.broadcast %parallel_loop3A_383 : f32 to vector<16xf32>
      %parallel_loop3A_385 = arith.mulf %parallel_loop3A_382, %parallel_loop3A_384 : vector<16xf32>
      %parallel_loop3A_386 = arith.constant 0 : i32
      %parallel_loop3A_387 = arith.constant 0 : i32
      %parallel_loop3A_388 = tpu.memref_slice %arg7[%parallel_loop3A_66, %parallel_loop3A_386, %parallel_loop3A_387] : memref<2x200x64xf32, #tpu.memory_space<vmem>> -> memref<1x200x64xf32, #tpu.memory_space<vmem>>
      %parallel_loop3A_389 = tpu.memref_squeeze %parallel_loop3A_388 : memref<1x200x64xf32, #tpu.memory_space<vmem>> -> memref<200x64xf32, #tpu.memory_space<vmem>>
      %parallel_loop3A_390 = arith.index_cast %parallel_loop3A_314 : i32 to index
      %parallel_loop3A_391 = arith.constant 48 : index
      %parallel_loop3A_392 = tpu.vector_load %parallel_loop3A_389[%parallel_loop3A_390, %parallel_loop3A_391] {strides = array<i32>} : memref<200x64xf32, #tpu.memory_space<vmem>>, vector<1x16xf32>,
      %parallel_loop3A_393 = vector.shape_cast %parallel_loop3A_392 : vector<1x16xf32> to vector<16xf32>
      %parallel_loop3A_394 = vector.shape_cast %parallel_loop3A_385 : vector<16xf32> to vector<1x16xf32>
      tpu.vector_store %parallel_loop3A_389[%parallel_loop3A_390, %parallel_loop3A_391], %parallel_loop3A_394 {strides = array<i32>} : memref<200x64xf32, #tpu.memory_space<vmem>>, vector<1x16xf32>,
    } {sc.loop_unroll_factor = 4 : i64, sc.parallel_access}
    %add3A_67 = arith.constant 0 : i32
    %add3A_68 = arith.addi %mul3A_2, %add3A_67 : i32
    %mul3A_69 = arith.constant 200 : i32
    %mul3A_70 = arith.muli %add3A_68, %mul3A_69 : i32
    %dma_start3A_71 = arith.constant 0 : i32
    %dma_start3A_72 = arith.constant 0 : i32
    %dma_start3A_73 = arith.constant 0 : i32
    %dma_start3A_74 = tpu.memref_slice %arg7[%dma_start3A_71, %dma_start3A_72, %dma_start3A_73] : memref<2x200x64xf32, #tpu.memory_space<vmem>> -> memref<1x200x64xf32, #tpu.memory_space<vmem>>
    %dma_start3A_75 = tpu.memref_squeeze %dma_start3A_74 : memref<1x200x64xf32, #tpu.memory_space<vmem>> -> memref<200x64xf32, #tpu.memory_space<vmem>>
    %dma_start3A_76 = arith.constant 0 : i32
    %dma_start3A_77 = tpu.memref_slice %arg4[%mul3A_70, %dma_start3A_76] : memref<819200x64xf32, #tpu.memory_space<hbm>> -> memref<200x64xf32, #tpu.memory_space<hbm>>
    %dma_start3A_78 = arith.constant 0 : i32
    %dma_start3A_79 = tpu.memref_slice %arg4[%mul3A_70, %dma_start3A_78] : memref<819200x64xf32, #tpu.memory_space<hbm>> -> memref<200x64xf32, #tpu.memory_space<hbm>>
    %dma_start3A_80 = arith.constant 0 : i32
    %dma_start3A_81 = arith.constant 0 : i32
    %dma_start3A_82 = tpu.memref_slice %arg7[%dma_start3A_71, %dma_start3A_80, %dma_start3A_81] : memref<2x200x64xf32, #tpu.memory_space<vmem>> -> memref<1x200x64xf32, #tpu.memory_space<vmem>>
    %dma_start3A_83 = tpu.memref_squeeze %dma_start3A_82 : memref<1x200x64xf32, #tpu.memory_space<vmem>> -> memref<200x64xf32, #tpu.memory_space<vmem>>
    tpu.enqueue_dma source(%dma_start3A_83 : memref<200x64xf32, #tpu.memory_space<vmem>>) target(%dma_start3A_79 : memref<200x64xf32, #tpu.memory_space<hbm>>) target_semaphore(%arg10 : memref<!tpu.dma_semaphore, #tpu.memory_space<semaphore_mem>>)
    %dma_start3A_84 = arith.constant 0 : i32
    %dma_start3A_85 = arith.constant 0 : i32
    %dma_start3A_86 = arith.constant 0 : i32
    %dma_start3A_87 = tpu.memref_slice %arg6[%dma_start3A_84, %dma_start3A_85, %dma_start3A_86] : memref<2x200x128xf32, #tpu.memory_space<vmem>> -> memref<1x128x128xf32, #tpu.memory_space<vmem>>
    %dma_start3A_88 = tpu.memref_squeeze %dma_start3A_87 : memref<1x128x128xf32, #tpu.memory_space<vmem>> -> memref<128x128xf32, #tpu.memory_space<vmem>>
    %dma_start3A_89 = arith.constant 400 : i32
    %dma_start3A_90 = tpu.memref_slice %arg5[%dma_start3A_89] : memref<25600xi32, #tpu.memory_space<vmem>> -> memref<128xi32, #tpu.memory_space<vmem>>
    %dma_start3A_91 = arith.constant 0 : i32
    %dma_start3A_92 = arith.constant 0 : i32
    %dma_start3A_93 = tpu.memref_slice %arg3[%dma_start3A_91, %dma_start3A_92] : memref<1000000x128xf32, #tpu.memory_space<hbm>> -> memref<1000000x128xf32, #tpu.memory_space<hbm>>
    tpu.enqueue_indirect_dma source(%dma_start3A_93 : memref<1000000x128xf32, #tpu.memory_space<hbm>>) target(%dma_start3A_88 : memref<128x128xf32, #tpu.memory_space<vmem>>) offsets(%dma_start3A_90 : memref<128xi32, #tpu.memory_space<vmem>>) semaphore(%arg8 : memref<!tpu.dma_semaphore, #tpu.memory_space<semaphore_mem>>)
    %dma_start3A_94 = arith.constant 0 : i32
    %dma_start3A_95 = arith.constant 128 : i32
    %dma_start3A_96 = arith.constant 0 : i32
    %dma_start3A_97 = tpu.memref_slice %arg6[%dma_start3A_94, %dma_start3A_95, %dma_start3A_96] : memref<2x200x128xf32, #tpu.memory_space<vmem>> -> memref<1x72x128xf32, #tpu.memory_space<vmem>>
    %dma_start3A_98 = tpu.memref_squeeze %dma_start3A_97 : memref<1x72x128xf32, #tpu.memory_space<vmem>> -> memref<72x128xf32, #tpu.memory_space<vmem>>
    %dma_start3A_99 = arith.constant 528 : i32
    %dma_start3A_100 = tpu.memref_slice %arg5[%dma_start3A_99] : memref<25600xi32, #tpu.memory_space<vmem>> -> memref<72xi32, #tpu.memory_space<vmem>>
    %dma_start3A_101 = arith.constant 0 : i32
    %dma_start3A_102 = arith.constant 0 : i32
    %dma_start3A_103 = tpu.memref_slice %arg3[%dma_start3A_101, %dma_start3A_102] : memref<1000000x128xf32, #tpu.memory_space<hbm>> -> memref<1000000x128xf32, #tpu.memory_space<hbm>>
    tpu.enqueue_indirect_dma source(%dma_start3A_103 : memref<1000000x128xf32, #tpu.memory_space<hbm>>) target(%dma_start3A_98 : memref<72x128xf32, #tpu.memory_space<vmem>>) offsets(%dma_start3A_100 : memref<72xi32, #tpu.memory_space<vmem>>) semaphore(%arg8 : memref<!tpu.dma_semaphore, #tpu.memory_space<semaphore_mem>>)
    %dma_wait3A_104 = arith.constant 1 : i32
    %dma_wait3A_105 = arith.constant 0 : i32
    %dma_wait3A_106 = arith.constant 0 : i32
    %dma_wait3A_107 = tpu.memref_slice %arg6[%dma_wait3A_104, %dma_wait3A_105, %dma_wait3A_106] : memref<2x200x128xf32, #tpu.memory_space<vmem>> -> memref<1x128x128xf32, #tpu.memory_space<vmem>>
    %dma_wait3A_108 = tpu.memref_squeeze %dma_wait3A_107 : memref<1x128x128xf32, #tpu.memory_space<vmem>> -> memref<128x128xf32, #tpu.memory_space<vmem>>
    %dma_wait3A_109 = arith.constant 0 : i32
    %dma_wait3A_110 = tpu.memref_slice %arg5[%dma_wait3A_109] : memref<25600xi32, #tpu.memory_space<vmem>> -> memref<128xi32, #tpu.memory_space<vmem>>
    %dma_wait3A_111 = arith.constant 0 : i32
    %dma_wait3A_112 = arith.constant 0 : i32
    %dma_wait3A_113 = tpu.memref_slice %arg3[%dma_wait3A_111, %dma_wait3A_112] : memref<1000000x128xf32, #tpu.memory_space<hbm>> -> memref<1000000x128xf32, #tpu.memory_space<hbm>>
    tpu.wait_indirect_dma semaphore(%arg9 : memref<!tpu.dma_semaphore, #tpu.memory_space<semaphore_mem>>) src(%dma_wait3A_113 : memref<1000000x128xf32, #tpu.memory_space<hbm>>) dst(%dma_wait3A_108 : memref<128x128xf32, #tpu.memory_space<vmem>>)
    %dma_wait3A_114 = arith.constant 1 : i32
    %dma_wait3A_115 = arith.constant 128 : i32
    %dma_wait3A_116 = arith.constant 0 : i32
    %dma_wait3A_117 = tpu.memref_slice %arg6[%dma_wait3A_114, %dma_wait3A_115, %dma_wait3A_116] : memref<2x200x128xf32, #tpu.memory_space<vmem>> -> memref<1x72x128xf32, #tpu.memory_space<vmem>>
    %dma_wait3A_118 = tpu.memref_squeeze %dma_wait3A_117 : memref<1x72x128xf32, #tpu.memory_space<vmem>> -> memref<72x128xf32, #tpu.memory_space<vmem>>
    %dma_wait3A_119 = arith.constant 0 : i32
    %dma_wait3A_120 = tpu.memref_slice %arg5[%dma_wait3A_119] : memref<25600xi32, #tpu.memory_space<vmem>> -> memref<72xi32, #tpu.memory_space<vmem>>
    %dma_wait3A_121 = arith.constant 0 : i32
    %dma_wait3A_122 = arith.constant 0 : i32
    %dma_wait3A_123 = tpu.memref_slice %arg3[%dma_wait3A_121, %dma_wait3A_122] : memref<1000000x128xf32, #tpu.memory_space<hbm>> -> memref<1000000x128xf32, #tpu.memory_space<hbm>>
    tpu.wait_indirect_dma semaphore(%arg9 : memref<!tpu.dma_semaphore, #tpu.memory_space<semaphore_mem>>) src(%dma_wait3A_123 : memref<1000000x128xf32, #tpu.memory_space<hbm>>) dst(%dma_wait3A_118 : memref<72x128xf32, #tpu.memory_space<vmem>>)
    %parallel_loop3A_124 = arith.constant 0 : i32
    %parallel_loop3A_125 = arith.constant 200 : i32
    %parallel_loop3A_126 = arith.constant 1 : i32
    %parallel_loop3A_127 = arith.constant 1 : i32
    %parallel_loop3A_128 = arith.constant 1 : i32
    scf.for %parallel_loop3A_314 = %parallel_loop3A_124 to %parallel_loop3A_125 step %parallel_loop3A_126  : i32 {
      %parallel_loop3A_315 = arith.constant 0 : i32
      %parallel_loop3A_316 = arith.constant 0 : i32
      %parallel_loop3A_317 = tpu.memref_slice %arg6[%parallel_loop3A_127, %parallel_loop3A_315, %parallel_loop3A_316] : memref<2x200x128xf32, #tpu.memory_space<vmem>> -> memref<1x200x128xf32, #tpu.memory_space<vmem>>
      %parallel_loop3A_318 = tpu.memref_squeeze %parallel_loop3A_317 : memref<1x200x128xf32, #tpu.memory_space<vmem>> -> memref<200x128xf32, #tpu.memory_space<vmem>>
      %parallel_loop3A_319 = arith.index_cast %parallel_loop3A_314 : i32 to index
      %parallel_loop3A_320 = arith.constant 0 : index
      %parallel_loop3A_321 = tpu.vector_load %parallel_loop3A_318[%parallel_loop3A_319, %parallel_loop3A_320] {strides = array<i32>} : memref<200x128xf32, #tpu.memory_space<vmem>>, vector<1x16xf32>,
      %parallel_loop3A_322 = vector.shape_cast %parallel_loop3A_321 : vector<1x16xf32> to vector<16xf32>
      %parallel_loop3A_323 = arith.constant 8.000000e+00 : f32
      %parallel_loop3A_324 = vector.broadcast %parallel_loop3A_323 : f32 to vector<16xf32>
      %parallel_loop3A_325 = arith.mulf %parallel_loop3A_322, %parallel_loop3A_324 : vector<16xf32>
      %parallel_loop3A_326 = arith.constant 0 : i32
      %parallel_loop3A_327 = arith.constant 0 : i32
      %parallel_loop3A_328 = tpu.memref_slice %arg7[%parallel_loop3A_128, %parallel_loop3A_326, %parallel_loop3A_327] : memref<2x200x64xf32, #tpu.memory_space<vmem>> -> memref<1x200x64xf32, #tpu.memory_space<vmem>>
      %parallel_loop3A_329 = tpu.memref_squeeze %parallel_loop3A_328 : memref<1x200x64xf32, #tpu.memory_space<vmem>> -> memref<200x64xf32, #tpu.memory_space<vmem>>
      %parallel_loop3A_330 = arith.index_cast %parallel_loop3A_314 : i32 to index
      %parallel_loop3A_331 = arith.constant 0 : index
      %parallel_loop3A_332 = tpu.vector_load %parallel_loop3A_329[%parallel_loop3A_330, %parallel_loop3A_331] {strides = array<i32>} : memref<200x64xf32, #tpu.memory_space<vmem>>, vector<1x16xf32>,
      %parallel_loop3A_333 = vector.shape_cast %parallel_loop3A_332 : vector<1x16xf32> to vector<16xf32>
      %parallel_loop3A_334 = vector.shape_cast %parallel_loop3A_325 : vector<16xf32> to vector<1x16xf32>
      tpu.vector_store %parallel_loop3A_329[%parallel_loop3A_330, %parallel_loop3A_331], %parallel_loop3A_334 {strides = array<i32>} : memref<200x64xf32, #tpu.memory_space<vmem>>, vector<1x16xf32>,
      %parallel_loop3A_335 = arith.constant 0 : i32
      %parallel_loop3A_336 = arith.constant 0 : i32
      %parallel_loop3A_337 = tpu.memref_slice %arg6[%parallel_loop3A_127, %parallel_loop3A_335, %parallel_loop3A_336] : memref<2x200x128xf32, #tpu.memory_space<vmem>> -> memref<1x200x128xf32, #tpu.memory_space<vmem>>
      %parallel_loop3A_338 = tpu.memref_squeeze %parallel_loop3A_337 : memref<1x200x128xf32, #tpu.memory_space<vmem>> -> memref<200x128xf32, #tpu.memory_space<vmem>>
      %parallel_loop3A_339 = arith.index_cast %parallel_loop3A_314 : i32 to index
      %parallel_loop3A_340 = arith.constant 16 : index
      %parallel_loop3A_341 = tpu.vector_load %parallel_loop3A_338[%parallel_loop3A_339, %parallel_loop3A_340] {strides = array<i32>} : memref<200x128xf32, #tpu.memory_space<vmem>>, vector<1x16xf32>,
      %parallel_loop3A_342 = vector.shape_cast %parallel_loop3A_341 : vector<1x16xf32> to vector<16xf32>
      %parallel_loop3A_343 = arith.constant 8.000000e+00 : f32
      %parallel_loop3A_344 = vector.broadcast %parallel_loop3A_343 : f32 to vector<16xf32>
      %parallel_loop3A_345 = arith.mulf %parallel_loop3A_342, %parallel_loop3A_344 : vector<16xf32>
      %parallel_loop3A_346 = arith.constant 0 : i32
      %parallel_loop3A_347 = arith.constant 0 : i32
      %parallel_loop3A_348 = tpu.memref_slice %arg7[%parallel_loop3A_128, %parallel_loop3A_346, %parallel_loop3A_347] : memref<2x200x64xf32, #tpu.memory_space<vmem>> -> memref<1x200x64xf32, #tpu.memory_space<vmem>>
      %parallel_loop3A_349 = tpu.memref_squeeze %parallel_loop3A_348 : memref<1x200x64xf32, #tpu.memory_space<vmem>> -> memref<200x64xf32, #tpu.memory_space<vmem>>
      %parallel_loop3A_350 = arith.index_cast %parallel_loop3A_314 : i32 to index
      %parallel_loop3A_351 = arith.constant 16 : index
      %parallel_loop3A_352 = tpu.vector_load %parallel_loop3A_349[%parallel_loop3A_350, %parallel_loop3A_351] {strides = array<i32>} : memref<200x64xf32, #tpu.memory_space<vmem>>, vector<1x16xf32>,
      %parallel_loop3A_353 = vector.shape_cast %parallel_loop3A_352 : vector<1x16xf32> to vector<16xf32>
      %parallel_loop3A_354 = vector.shape_cast %parallel_loop3A_345 : vector<16xf32> to vector<1x16xf32>
      tpu.vector_store %parallel_loop3A_349[%parallel_loop3A_350, %parallel_loop3A_351], %parallel_loop3A_354 {strides = array<i32>} : memref<200x64xf32, #tpu.memory_space<vmem>>, vector<1x16xf32>,
      %parallel_loop3A_355 = arith.constant 0 : i32
      %parallel_loop3A_356 = arith.constant 0 : i32
      %parallel_loop3A_357 = tpu.memref_slice %arg6[%parallel_loop3A_127, %parallel_loop3A_355, %parallel_loop3A_356] : memref<2x200x128xf32, #tpu.memory_space<vmem>> -> memref<1x200x128xf32, #tpu.memory_space<vmem>>
      %parallel_loop3A_358 = tpu.memref_squeeze %parallel_loop3A_357 : memref<1x200x128xf32, #tpu.memory_space<vmem>> -> memref<200x128xf32, #tpu.memory_space<vmem>>
      %parallel_loop3A_359 = arith.index_cast %parallel_loop3A_314 : i32 to index
      %parallel_loop3A_360 = arith.constant 32 : index
      %parallel_loop3A_361 = tpu.vector_load %parallel_loop3A_358[%parallel_loop3A_359, %parallel_loop3A_360] {strides = array<i32>} : memref<200x128xf32, #tpu.memory_space<vmem>>, vector<1x16xf32>,
      %parallel_loop3A_362 = vector.shape_cast %parallel_loop3A_361 : vector<1x16xf32> to vector<16xf32>
      %parallel_loop3A_363 = arith.constant 8.000000e+00 : f32
      %parallel_loop3A_364 = vector.broadcast %parallel_loop3A_363 : f32 to vector<16xf32>
      %parallel_loop3A_365 = arith.mulf %parallel_loop3A_362, %parallel_loop3A_364 : vector<16xf32>
      %parallel_loop3A_366 = arith.constant 0 : i32
      %parallel_loop3A_367 = arith.constant 0 : i32
      %parallel_loop3A_368 = tpu.memref_slice %arg7[%parallel_loop3A_128, %parallel_loop3A_366, %parallel_loop3A_367] : memref<2x200x64xf32, #tpu.memory_space<vmem>> -> memref<1x200x64xf32, #tpu.memory_space<vmem>>
      %parallel_loop3A_369 = tpu.memref_squeeze %parallel_loop3A_368 : memref<1x200x64xf32, #tpu.memory_space<vmem>> -> memref<200x64xf32, #tpu.memory_space<vmem>>
      %parallel_loop3A_370 = arith.index_cast %parallel_loop3A_314 : i32 to index
      %parallel_loop3A_371 = arith.constant 32 : index
      %parallel_loop3A_372 = tpu.vector_load %parallel_loop3A_369[%parallel_loop3A_370, %parallel_loop3A_371] {strides = array<i32>} : memref<200x64xf32, #tpu.memory_space<vmem>>, vector<1x16xf32>,
      %parallel_loop3A_373 = vector.shape_cast %parallel_loop3A_372 : vector<1x16xf32> to vector<16xf32>
      %parallel_loop3A_374 = vector.shape_cast %parallel_loop3A_365 : vector<16xf32> to vector<1x16xf32>
      tpu.vector_store %parallel_loop3A_369[%parallel_loop3A_370, %parallel_loop3A_371], %parallel_loop3A_374 {strides = array<i32>} : memref<200x64xf32, #tpu.memory_space<vmem>>, vector<1x16xf32>,
      %parallel_loop3A_375 = arith.constant 0 : i32
      %parallel_loop3A_376 = arith.constant 0 : i32
      %parallel_loop3A_377 = tpu.memref_slice %arg6[%parallel_loop3A_127, %parallel_loop3A_375, %parallel_loop3A_376] : memref<2x200x128xf32, #tpu.memory_space<vmem>> -> memref<1x200x128xf32, #tpu.memory_space<vmem>>
      %parallel_loop3A_378 = tpu.memref_squeeze %parallel_loop3A_377 : memref<1x200x128xf32, #tpu.memory_space<vmem>> -> memref<200x128xf32, #tpu.memory_space<vmem>>
      %parallel_loop3A_379 = arith.index_cast %parallel_loop3A_314 : i32 to index
      %parallel_loop3A_380 = arith.constant 48 : index
      %parallel_loop3A_381 = tpu.vector_load %parallel_loop3A_378[%parallel_loop3A_379, %parallel_loop3A_380] {strides = array<i32>} : memref<200x128xf32, #tpu.memory_space<vmem>>, vector<1x16xf32>,
      %parallel_loop3A_382 = vector.shape_cast %parallel_loop3A_381 : vector<1x16xf32> to vector<16xf32>
      %parallel_loop3A_383 = arith.constant 8.000000e+00 : f32
      %parallel_loop3A_384 = vector.broadcast %parallel_loop3A_383 : f32 to vector<16xf32>
      %parallel_loop3A_385 = arith.mulf %parallel_loop3A_382, %parallel_loop3A_384 : vector<16xf32>
      %parallel_loop3A_386 = arith.constant 0 : i32
      %parallel_loop3A_387 = arith.constant 0 : i32
      %parallel_loop3A_388 = tpu.memref_slice %arg7[%parallel_loop3A_128, %parallel_loop3A_386, %parallel_loop3A_387] : memref<2x200x64xf32, #tpu.memory_space<vmem>> -> memref<1x200x64xf32, #tpu.memory_space<vmem>>
      %parallel_loop3A_389 = tpu.memref_squeeze %parallel_loop3A_388 : memref<1x200x64xf32, #tpu.memory_space<vmem>> -> memref<200x64xf32, #tpu.memory_space<vmem>>
      %parallel_loop3A_390 = arith.index_cast %parallel_loop3A_314 : i32 to index
      %parallel_loop3A_391 = arith.constant 48 : index
      %parallel_loop3A_392 = tpu.vector_load %parallel_loop3A_389[%parallel_loop3A_390, %parallel_loop3A_391] {strides = array<i32>} : memref<200x64xf32, #tpu.memory_space<vmem>>, vector<1x16xf32>,
      %parallel_loop3A_393 = vector.shape_cast %parallel_loop3A_392 : vector<1x16xf32> to vector<16xf32>
      %parallel_loop3A_394 = vector.shape_cast %parallel_loop3A_385 : vector<16xf32> to vector<1x16xf32>
      tpu.vector_store %parallel_loop3A_389[%parallel_loop3A_390, %parallel_loop3A_391], %parallel_loop3A_394 {strides = array<i32>} : memref<200x64xf32, #tpu.memory_space<vmem>>, vector<1x16xf32>,
    } {sc.loop_unroll_factor = 4 : i64, sc.parallel_access}
    %add3A_129 = arith.constant 1 : i32
    %add3A_130 = arith.addi %mul3A_2, %add3A_129 : i32
    %mul3A_131 = arith.constant 200 : i32
    %mul3A_132 = arith.muli %add3A_130, %mul3A_131 : i32
    %dma_start3A_133 = arith.constant 1 : i32
    %dma_start3A_134 = arith.constant 0 : i32
    %dma_start3A_135 = arith.constant 0 : i32
    %dma_start3A_136 = tpu.memref_slice %arg7[%dma_start3A_133, %dma_start3A_134, %dma_start3A_135] : memref<2x200x64xf32, #tpu.memory_space<vmem>> -> memref<1x200x64xf32, #tpu.memory_space<vmem>>
    %dma_start3A_137 = tpu.memref_squeeze %dma_start3A_136 : memref<1x200x64xf32, #tpu.memory_space<vmem>> -> memref<200x64xf32, #tpu.memory_space<vmem>>
    %dma_start3A_138 = arith.constant 0 : i32
    %dma_start3A_139 = tpu.memref_slice %arg4[%mul3A_132, %dma_start3A_138] : memref<819200x64xf32, #tpu.memory_space<hbm>> -> memref<200x64xf32, #tpu.memory_space<hbm>>
    %dma_start3A_140 = arith.constant 0 : i32
    %dma_start3A_141 = tpu.memref_slice %arg4[%mul3A_132, %dma_start3A_140] : memref<819200x64xf32, #tpu.memory_space<hbm>> -> memref<200x64xf32, #tpu.memory_space<hbm>>
    %dma_start3A_142 = arith.constant 0 : i32
    %dma_start3A_143 = arith.constant 0 : i32
    %dma_start3A_144 = tpu.memref_slice %arg7[%dma_start3A_133, %dma_start3A_142, %dma_start3A_143] : memref<2x200x64xf32, #tpu.memory_space<vmem>> -> memref<1x200x64xf32, #tpu.memory_space<vmem>>
    %dma_start3A_145 = tpu.memref_squeeze %dma_start3A_144 : memref<1x200x64xf32, #tpu.memory_space<vmem>> -> memref<200x64xf32, #tpu.memory_space<vmem>>
    tpu.enqueue_dma source(%dma_start3A_145 : memref<200x64xf32, #tpu.memory_space<vmem>>) target(%dma_start3A_141 : memref<200x64xf32, #tpu.memory_space<hbm>>) target_semaphore(%arg11 : memref<!tpu.dma_semaphore, #tpu.memory_space<semaphore_mem>>)
    %dma_start3A_146 = arith.constant 1 : i32
    %dma_start3A_147 = arith.constant 0 : i32
    %dma_start3A_148 = arith.constant 0 : i32
    %dma_start3A_149 = tpu.memref_slice %arg6[%dma_start3A_146, %dma_start3A_147, %dma_start3A_148] : memref<2x200x128xf32, #tpu.memory_space<vmem>> -> memref<1x128x128xf32, #tpu.memory_space<vmem>>
    %dma_start3A_150 = tpu.memref_squeeze %dma_start3A_149 : memref<1x128x128xf32, #tpu.memory_space<vmem>> -> memref<128x128xf32, #tpu.memory_space<vmem>>
    %dma_start3A_151 = arith.constant 600 : i32
    %dma_start3A_152 = tpu.memref_slice %arg5[%dma_start3A_151] : memref<25600xi32, #tpu.memory_space<vmem>> -> memref<128xi32, #tpu.memory_space<vmem>>
    %dma_start3A_153 = arith.constant 0 : i32
    %dma_start3A_154 = arith.constant 0 : i32
    %dma_start3A_155 = tpu.memref_slice %arg3[%dma_start3A_153, %dma_start3A_154] : memref<1000000x128xf32, #tpu.memory_space<hbm>> -> memref<1000000x128xf32, #tpu.memory_space<hbm>>
    tpu.enqueue_indirect_dma source(%dma_start3A_155 : memref<1000000x128xf32, #tpu.memory_space<hbm>>) target(%dma_start3A_150 : memref<128x128xf32, #tpu.memory_space<vmem>>) offsets(%dma_start3A_152 : memref<128xi32, #tpu.memory_space<vmem>>) semaphore(%arg9 : memref<!tpu.dma_semaphore, #tpu.memory_space<semaphore_mem>>)
    %dma_start3A_156 = arith.constant 1 : i32
    %dma_start3A_157 = arith.constant 128 : i32
    %dma_start3A_158 = arith.constant 0 : i32
    %dma_start3A_159 = tpu.memref_slice %arg6[%dma_start3A_156, %dma_start3A_157, %dma_start3A_158] : memref<2x200x128xf32, #tpu.memory_space<vmem>> -> memref<1x72x128xf32, #tpu.memory_space<vmem>>
    %dma_start3A_160 = tpu.memref_squeeze %dma_start3A_159 : memref<1x72x128xf32, #tpu.memory_space<vmem>> -> memref<72x128xf32, #tpu.memory_space<vmem>>
    %dma_start3A_161 = arith.constant 728 : i32
    %dma_start3A_162 = tpu.memref_slice %arg5[%dma_start3A_161] : memref<25600xi32, #tpu.memory_space<vmem>> -> memref<72xi32, #tpu.memory_space<vmem>>
    %dma_start3A_163 = arith.constant 0 : i32
    %dma_start3A_164 = arith.constant 0 : i32
    %dma_start3A_165 = tpu.memref_slice %arg3[%dma_start3A_163, %dma_start3A_164] : memref<1000000x128xf32, #tpu.memory_space<hbm>> -> memref<1000000x128xf32, #tpu.memory_space<hbm>>
    tpu.enqueue_indirect_dma source(%dma_start3A_165 : memref<1000000x128xf32, #tpu.memory_space<hbm>>) target(%dma_start3A_160 : memref<72x128xf32, #tpu.memory_space<vmem>>) offsets(%dma_start3A_162 : memref<72xi32, #tpu.memory_space<vmem>>) semaphore(%arg9 : memref<!tpu.dma_semaphore, #tpu.memory_space<semaphore_mem>>)
    %scan3A = arith.constant 0 : i32
    %scan3A_166 = arith.constant 62 : i32
    %scan3A_167 = arith.addi %scan3A, %scan3A_166 : i32
    %scan3A_168 = arith.constant 1 : i32
    scf.for %scan3A_314 = %scan3A to %scan3A_167 step %scan3A_168  : i32 {
      %mul3A_315 = arith.constant 1 : i32
      %mul3A_316 = arith.muli %scan3A_314, %mul3A_315 : i32
      %add3A_317 = arith.constant 1 : i32
      %add3A_318 = arith.addi %add3A_317, %mul3A_316 : i32
      %mul3A_319 = arith.constant 2 : i32
      %mul3A_320 = arith.muli %add3A_318, %mul3A_319 : i32
      %add3A_321 = arith.constant 0 : i32
      %add3A_322 = arith.addi %mul3A_320, %add3A_321 : i32
      %dma_wait3A_323 = arith.constant 0 : i32
      %dma_wait3A_324 = arith.constant 0 : i32
      %dma_wait3A_325 = arith.constant 0 : i32
      %dma_wait3A_326 = tpu.memref_slice %arg6[%dma_wait3A_323, %dma_wait3A_324, %dma_wait3A_325] : memref<2x200x128xf32, #tpu.memory_space<vmem>> -> memref<1x128x128xf32, #tpu.memory_space<vmem>>
      %dma_wait3A_327 = tpu.memref_squeeze %dma_wait3A_326 : memref<1x128x128xf32, #tpu.memory_space<vmem>> -> memref<128x128xf32, #tpu.memory_space<vmem>>
      %dma_wait3A_328 = arith.constant 0 : i32
      %dma_wait3A_329 = tpu.memref_slice %arg5[%dma_wait3A_328] : memref<25600xi32, #tpu.memory_space<vmem>> -> memref<128xi32, #tpu.memory_space<vmem>>
      %dma_wait3A_330 = arith.constant 0 : i32
      %dma_wait3A_331 = arith.constant 0 : i32
      %dma_wait3A_332 = tpu.memref_slice %arg3[%dma_wait3A_330, %dma_wait3A_331] : memref<1000000x128xf32, #tpu.memory_space<hbm>> -> memref<1000000x128xf32, #tpu.memory_space<hbm>>
      tpu.wait_indirect_dma semaphore(%arg8 : memref<!tpu.dma_semaphore, #tpu.memory_space<semaphore_mem>>) src(%dma_wait3A_332 : memref<1000000x128xf32, #tpu.memory_space<hbm>>) dst(%dma_wait3A_327 : memref<128x128xf32, #tpu.memory_space<vmem>>)
      %dma_wait3A_333 = arith.constant 0 : i32
      %dma_wait3A_334 = arith.constant 128 : i32
      %dma_wait3A_335 = arith.constant 0 : i32
      %dma_wait3A_336 = tpu.memref_slice %arg6[%dma_wait3A_333, %dma_wait3A_334, %dma_wait3A_335] : memref<2x200x128xf32, #tpu.memory_space<vmem>> -> memref<1x72x128xf32, #tpu.memory_space<vmem>>
      %dma_wait3A_337 = tpu.memref_squeeze %dma_wait3A_336 : memref<1x72x128xf32, #tpu.memory_space<vmem>> -> memref<72x128xf32, #tpu.memory_space<vmem>>
      %dma_wait3A_338 = arith.constant 0 : i32
      %dma_wait3A_339 = tpu.memref_slice %arg5[%dma_wait3A_338] : memref<25600xi32, #tpu.memory_space<vmem>> -> memref<72xi32, #tpu.memory_space<vmem>>
      %dma_wait3A_340 = arith.constant 0 : i32
      %dma_wait3A_341 = arith.constant 0 : i32
      %dma_wait3A_342 = tpu.memref_slice %arg3[%dma_wait3A_340, %dma_wait3A_341] : memref<1000000x128xf32, #tpu.memory_space<hbm>> -> memref<1000000x128xf32, #tpu.memory_space<hbm>>
      tpu.wait_indirect_dma semaphore(%arg8 : memref<!tpu.dma_semaphore, #tpu.memory_space<semaphore_mem>>) src(%dma_wait3A_342 : memref<1000000x128xf32, #tpu.memory_space<hbm>>) dst(%dma_wait3A_337 : memref<72x128xf32, #tpu.memory_space<vmem>>)
      %dma_wait3A_343 = arith.constant 0 : i32
      %dma_wait3A_344 = arith.constant 0 : i32
      %dma_wait3A_345 = arith.constant 0 : i32
      %dma_wait3A_346 = tpu.memref_slice %arg7[%dma_wait3A_343, %dma_wait3A_344, %dma_wait3A_345] : memref<2x200x64xf32, #tpu.memory_space<vmem>> -> memref<1x200x64xf32, #tpu.memory_space<vmem>>
      %dma_wait3A_347 = tpu.memref_squeeze %dma_wait3A_346 : memref<1x200x64xf32, #tpu.memory_space<vmem>> -> memref<200x64xf32, #tpu.memory_space<vmem>>
      %dma_wait3A_348 = arith.constant 0 : i32
      %dma_wait3A_349 = arith.constant 0 : i32
      %dma_wait3A_350 = tpu.memref_slice %arg4[%dma_wait3A_348, %dma_wait3A_349] : memref<819200x64xf32, #tpu.memory_space<hbm>> -> memref<200x64xf32, #tpu.memory_space<hbm>>
      %dma_wait3A_351 = arith.constant 0 : i32
      %dma_wait3A_352 = arith.constant 0 : i32
      %dma_wait3A_353 = tpu.memref_slice %arg4[%dma_wait3A_351, %dma_wait3A_352] : memref<819200x64xf32, #tpu.memory_space<hbm>> -> memref<200x64xf32, #tpu.memory_space<hbm>>
      %dma_wait3A_354 = arith.constant 0 : i32
      %dma_wait3A_355 = arith.constant 0 : i32
      %dma_wait3A_356 = tpu.memref_slice %arg7[%dma_wait3A_343, %dma_wait3A_354, %dma_wait3A_355] : memref<2x200x64xf32, #tpu.memory_space<vmem>> -> memref<1x200x64xf32, #tpu.memory_space<vmem>>
      %dma_wait3A_357 = tpu.memref_squeeze %dma_wait3A_356 : memref<1x200x64xf32, #tpu.memory_space<vmem>> -> memref<200x64xf32, #tpu.memory_space<vmem>>
      tpu.wait_dma2 semaphore(%arg10 : memref<!tpu.dma_semaphore, #tpu.memory_space<semaphore_mem>>) src(%dma_wait3A_357 : memref<200x64xf32, #tpu.memory_space<vmem>>) dst(%dma_wait3A_353 : memref<200x64xf32, #tpu.memory_space<hbm>>)
      %parallel_loop3A_358 = arith.constant 0 : i32
      %parallel_loop3A_359 = arith.constant 200 : i32
      %parallel_loop3A_360 = arith.constant 1 : i32
      %parallel_loop3A_361 = arith.constant 0 : i32
      %parallel_loop3A_362 = arith.constant 0 : i32
      scf.for %parallel_loop3A_493 = %parallel_loop3A_358 to %parallel_loop3A_359 step %parallel_loop3A_360  : i32 {
        %parallel_loop3A_494 = arith.constant 0 : i32
        %parallel_loop3A_495 = arith.constant 0 : i32
        %parallel_loop3A_496 = tpu.memref_slice %arg6[%parallel_loop3A_361, %parallel_loop3A_494, %parallel_loop3A_495] : memref<2x200x128xf32, #tpu.memory_space<vmem>> -> memref<1x200x128xf32, #tpu.memory_space<vmem>>
        %parallel_loop3A_497 = tpu.memref_squeeze %parallel_loop3A_496 : memref<1x200x128xf32, #tpu.memory_space<vmem>> -> memref<200x128xf32, #tpu.memory_space<vmem>>
        %parallel_loop3A_498 = arith.index_cast %parallel_loop3A_493 : i32 to index
        %parallel_loop3A_499 = arith.constant 0 : index
        %parallel_loop3A_500 = tpu.vector_load %parallel_loop3A_497[%parallel_loop3A_498, %parallel_loop3A_499] {strides = array<i32>} : memref<200x128xf32, #tpu.memory_space<vmem>>, vector<1x16xf32>,
        %parallel_loop3A_501 = vector.shape_cast %parallel_loop3A_500 : vector<1x16xf32> to vector<16xf32>
        %parallel_loop3A_502 = arith.constant 8.000000e+00 : f32
        %parallel_loop3A_503 = vector.broadcast %parallel_loop3A_502 : f32 to vector<16xf32>
        %parallel_loop3A_504 = arith.mulf %parallel_loop3A_501, %parallel_loop3A_503 : vector<16xf32>
        %parallel_loop3A_505 = arith.constant 0 : i32
        %parallel_loop3A_506 = arith.constant 0 : i32
        %parallel_loop3A_507 = tpu.memref_slice %arg7[%parallel_loop3A_362, %parallel_loop3A_505, %parallel_loop3A_506] : memref<2x200x64xf32, #tpu.memory_space<vmem>> -> memref<1x200x64xf32, #tpu.memory_space<vmem>>
        %parallel_loop3A_508 = tpu.memref_squeeze %parallel_loop3A_507 : memref<1x200x64xf32, #tpu.memory_space<vmem>> -> memref<200x64xf32, #tpu.memory_space<vmem>>
        %parallel_loop3A_509 = arith.index_cast %parallel_loop3A_493 : i32 to index
        %parallel_loop3A_510 = arith.constant 0 : index
        %parallel_loop3A_511 = tpu.vector_load %parallel_loop3A_508[%parallel_loop3A_509, %parallel_loop3A_510] {strides = array<i32>} : memref<200x64xf32, #tpu.memory_space<vmem>>, vector<1x16xf32>,
        %parallel_loop3A_512 = vector.shape_cast %parallel_loop3A_511 : vector<1x16xf32> to vector<16xf32>
        %parallel_loop3A_513 = vector.shape_cast %parallel_loop3A_504 : vector<16xf32> to vector<1x16xf32>
        tpu.vector_store %parallel_loop3A_508[%parallel_loop3A_509, %parallel_loop3A_510], %parallel_loop3A_513 {strides = array<i32>} : memref<200x64xf32, #tpu.memory_space<vmem>>, vector<1x16xf32>,
        %parallel_loop3A_514 = arith.constant 0 : i32
        %parallel_loop3A_515 = arith.constant 0 : i32
        %parallel_loop3A_516 = tpu.memref_slice %arg6[%parallel_loop3A_361, %parallel_loop3A_514, %parallel_loop3A_515] : memref<2x200x128xf32, #tpu.memory_space<vmem>> -> memref<1x200x128xf32, #tpu.memory_space<vmem>>
        %parallel_loop3A_517 = tpu.memref_squeeze %parallel_loop3A_516 : memref<1x200x128xf32, #tpu.memory_space<vmem>> -> memref<200x128xf32, #tpu.memory_space<vmem>>
        %parallel_loop3A_518 = arith.index_cast %parallel_loop3A_493 : i32 to index
        %parallel_loop3A_519 = arith.constant 16 : index
        %parallel_loop3A_520 = tpu.vector_load %parallel_loop3A_517[%parallel_loop3A_518, %parallel_loop3A_519] {strides = array<i32>} : memref<200x128xf32, #tpu.memory_space<vmem>>, vector<1x16xf32>,
        %parallel_loop3A_521 = vector.shape_cast %parallel_loop3A_520 : vector<1x16xf32> to vector<16xf32>
        %parallel_loop3A_522 = arith.constant 8.000000e+00 : f32
        %parallel_loop3A_523 = vector.broadcast %parallel_loop3A_522 : f32 to vector<16xf32>
        %parallel_loop3A_524 = arith.mulf %parallel_loop3A_521, %parallel_loop3A_523 : vector<16xf32>
        %parallel_loop3A_525 = arith.constant 0 : i32
        %parallel_loop3A_526 = arith.constant 0 : i32
        %parallel_loop3A_527 = tpu.memref_slice %arg7[%parallel_loop3A_362, %parallel_loop3A_525, %parallel_loop3A_526] : memref<2x200x64xf32, #tpu.memory_space<vmem>> -> memref<1x200x64xf32, #tpu.memory_space<vmem>>
        %parallel_loop3A_528 = tpu.memref_squeeze %parallel_loop3A_527 : memref<1x200x64xf32, #tpu.memory_space<vmem>> -> memref<200x64xf32, #tpu.memory_space<vmem>>
        %parallel_loop3A_529 = arith.index_cast %parallel_loop3A_493 : i32 to index
        %parallel_loop3A_530 = arith.constant 16 : index
        %parallel_loop3A_531 = tpu.vector_load %parallel_loop3A_528[%parallel_loop3A_529, %parallel_loop3A_530] {strides = array<i32>} : memref<200x64xf32, #tpu.memory_space<vmem>>, vector<1x16xf32>,
        %parallel_loop3A_532 = vector.shape_cast %parallel_loop3A_531 : vector<1x16xf32> to vector<16xf32>
        %parallel_loop3A_533 = vector.shape_cast %parallel_loop3A_524 : vector<16xf32> to vector<1x16xf32>
        tpu.vector_store %parallel_loop3A_528[%parallel_loop3A_529, %parallel_loop3A_530], %parallel_loop3A_533 {strides = array<i32>} : memref<200x64xf32, #tpu.memory_space<vmem>>, vector<1x16xf32>,
        %parallel_loop3A_534 = arith.constant 0 : i32
        %parallel_loop3A_535 = arith.constant 0 : i32
        %parallel_loop3A_536 = tpu.memref_slice %arg6[%parallel_loop3A_361, %parallel_loop3A_534, %parallel_loop3A_535] : memref<2x200x128xf32, #tpu.memory_space<vmem>> -> memref<1x200x128xf32, #tpu.memory_space<vmem>>
        %parallel_loop3A_537 = tpu.memref_squeeze %parallel_loop3A_536 : memref<1x200x128xf32, #tpu.memory_space<vmem>> -> memref<200x128xf32, #tpu.memory_space<vmem>>
        %parallel_loop3A_538 = arith.index_cast %parallel_loop3A_493 : i32 to index
        %parallel_loop3A_539 = arith.constant 32 : index
        %parallel_loop3A_540 = tpu.vector_load %parallel_loop3A_537[%parallel_loop3A_538, %parallel_loop3A_539] {strides = array<i32>} : memref<200x128xf32, #tpu.memory_space<vmem>>, vector<1x16xf32>,
        %parallel_loop3A_541 = vector.shape_cast %parallel_loop3A_540 : vector<1x16xf32> to vector<16xf32>
        %parallel_loop3A_542 = arith.constant 8.000000e+00 : f32
        %parallel_loop3A_543 = vector.broadcast %parallel_loop3A_542 : f32 to vector<16xf32>
        %parallel_loop3A_544 = arith.mulf %parallel_loop3A_541, %parallel_loop3A_543 : vector<16xf32>
        %parallel_loop3A_545 = arith.constant 0 : i32
        %parallel_loop3A_546 = arith.constant 0 : i32
        %parallel_loop3A_547 = tpu.memref_slice %arg7[%parallel_loop3A_362, %parallel_loop3A_545, %parallel_loop3A_546] : memref<2x200x64xf32, #tpu.memory_space<vmem>> -> memref<1x200x64xf32, #tpu.memory_space<vmem>>
        %parallel_loop3A_548 = tpu.memref_squeeze %parallel_loop3A_547 : memref<1x200x64xf32, #tpu.memory_space<vmem>> -> memref<200x64xf32, #tpu.memory_space<vmem>>
        %parallel_loop3A_549 = arith.index_cast %parallel_loop3A_493 : i32 to index
        %parallel_loop3A_550 = arith.constant 32 : index
        %parallel_loop3A_551 = tpu.vector_load %parallel_loop3A_548[%parallel_loop3A_549, %parallel_loop3A_550] {strides = array<i32>} : memref<200x64xf32, #tpu.memory_space<vmem>>, vector<1x16xf32>,
        %parallel_loop3A_552 = vector.shape_cast %parallel_loop3A_551 : vector<1x16xf32> to vector<16xf32>
        %parallel_loop3A_553 = vector.shape_cast %parallel_loop3A_544 : vector<16xf32> to vector<1x16xf32>
        tpu.vector_store %parallel_loop3A_548[%parallel_loop3A_549, %parallel_loop3A_550], %parallel_loop3A_553 {strides = array<i32>} : memref<200x64xf32, #tpu.memory_space<vmem>>, vector<1x16xf32>,
        %parallel_loop3A_554 = arith.constant 0 : i32
        %parallel_loop3A_555 = arith.constant 0 : i32
        %parallel_loop3A_556 = tpu.memref_slice %arg6[%parallel_loop3A_361, %parallel_loop3A_554, %parallel_loop3A_555] : memref<2x200x128xf32, #tpu.memory_space<vmem>> -> memref<1x200x128xf32, #tpu.memory_space<vmem>>
        %parallel_loop3A_557 = tpu.memref_squeeze %parallel_loop3A_556 : memref<1x200x128xf32, #tpu.memory_space<vmem>> -> memref<200x128xf32, #tpu.memory_space<vmem>>
        %parallel_loop3A_558 = arith.index_cast %parallel_loop3A_493 : i32 to index
        %parallel_loop3A_559 = arith.constant 48 : index
        %parallel_loop3A_560 = tpu.vector_load %parallel_loop3A_557[%parallel_loop3A_558, %parallel_loop3A_559] {strides = array<i32>} : memref<200x128xf32, #tpu.memory_space<vmem>>, vector<1x16xf32>,
        %parallel_loop3A_561 = vector.shape_cast %parallel_loop3A_560 : vector<1x16xf32> to vector<16xf32>
        %parallel_loop3A_562 = arith.constant 8.000000e+00 : f32
        %parallel_loop3A_563 = vector.broadcast %parallel_loop3A_562 : f32 to vector<16xf32>
        %parallel_loop3A_564 = arith.mulf %parallel_loop3A_561, %parallel_loop3A_563 : vector<16xf32>
        %parallel_loop3A_565 = arith.constant 0 : i32
        %parallel_loop3A_566 = arith.constant 0 : i32
        %parallel_loop3A_567 = tpu.memref_slice %arg7[%parallel_loop3A_362, %parallel_loop3A_565, %parallel_loop3A_566] : memref<2x200x64xf32, #tpu.memory_space<vmem>> -> memref<1x200x64xf32, #tpu.memory_space<vmem>>
        %parallel_loop3A_568 = tpu.memref_squeeze %parallel_loop3A_567 : memref<1x200x64xf32, #tpu.memory_space<vmem>> -> memref<200x64xf32, #tpu.memory_space<vmem>>
        %parallel_loop3A_569 = arith.index_cast %parallel_loop3A_493 : i32 to index
        %parallel_loop3A_570 = arith.constant 48 : index
        %parallel_loop3A_571 = tpu.vector_load %parallel_loop3A_568[%parallel_loop3A_569, %parallel_loop3A_570] {strides = array<i32>} : memref<200x64xf32, #tpu.memory_space<vmem>>, vector<1x16xf32>,
        %parallel_loop3A_572 = vector.shape_cast %parallel_loop3A_571 : vector<1x16xf32> to vector<16xf32>
        %parallel_loop3A_573 = vector.shape_cast %parallel_loop3A_564 : vector<16xf32> to vector<1x16xf32>
        tpu.vector_store %parallel_loop3A_568[%parallel_loop3A_569, %parallel_loop3A_570], %parallel_loop3A_573 {strides = array<i32>} : memref<200x64xf32, #tpu.memory_space<vmem>>, vector<1x16xf32>,
      } {sc.loop_unroll_factor = 4 : i64, sc.parallel_access}
      %add3A_363 = arith.addi %mul3A_2, %add3A_322 : i32
      %mul3A_364 = arith.constant 200 : i32
      %mul3A_365 = arith.muli %add3A_363, %mul3A_364 : i32
      %dma_start3A_366 = arith.constant 0 : i32
      %dma_start3A_367 = arith.constant 0 : i32
      %dma_start3A_368 = arith.constant 0 : i32
      %dma_start3A_369 = tpu.memref_slice %arg7[%dma_start3A_366, %dma_start3A_367, %dma_start3A_368] : memref<2x200x64xf32, #tpu.memory_space<vmem>> -> memref<1x200x64xf32, #tpu.memory_space<vmem>>
      %dma_start3A_370 = tpu.memref_squeeze %dma_start3A_369 : memref<1x200x64xf32, #tpu.memory_space<vmem>> -> memref<200x64xf32, #tpu.memory_space<vmem>>
      %dma_start3A_371 = arith.constant 0 : i32
      %dma_start3A_372 = tpu.memref_slice %arg4[%mul3A_365, %dma_start3A_371] : memref<819200x64xf32, #tpu.memory_space<hbm>> -> memref<200x64xf32, #tpu.memory_space<hbm>>
      %dma_start3A_373 = arith.constant 0 : i32
      %dma_start3A_374 = tpu.memref_slice %arg4[%mul3A_365, %dma_start3A_373] : memref<819200x64xf32, #tpu.memory_space<hbm>> -> memref<200x64xf32, #tpu.memory_space<hbm>>
      %dma_start3A_375 = arith.constant 0 : i32
      %dma_start3A_376 = arith.constant 0 : i32
      %dma_start3A_377 = tpu.memref_slice %arg7[%dma_start3A_366, %dma_start3A_375, %dma_start3A_376] : memref<2x200x64xf32, #tpu.memory_space<vmem>> -> memref<1x200x64xf32, #tpu.memory_space<vmem>>
      %dma_start3A_378 = tpu.memref_squeeze %dma_start3A_377 : memref<1x200x64xf32, #tpu.memory_space<vmem>> -> memref<200x64xf32, #tpu.memory_space<vmem>>
      tpu.enqueue_dma source(%dma_start3A_378 : memref<200x64xf32, #tpu.memory_space<vmem>>) target(%dma_start3A_374 : memref<200x64xf32, #tpu.memory_space<hbm>>) target_semaphore(%arg10 : memref<!tpu.dma_semaphore, #tpu.memory_space<semaphore_mem>>)
      %add3A_379 = arith.constant 2 : i32
      %add3A_380 = arith.addi %add3A_322, %add3A_379 : i32
      %mul3A_381 = arith.constant 200 : i32
      %mul3A_382 = arith.muli %add3A_380, %mul3A_381 : i32
      %add3A_383 = arith.constant 0 : i32
      %add3A_384 = arith.addi %mul3A_382, %add3A_383 : i32
      %dma_start3A_385 = arith.constant 0 : i32
      %dma_start3A_386 = arith.constant 0 : i32
      %dma_start3A_387 = arith.constant 0 : i32
      %dma_start3A_388 = tpu.memref_slice %arg6[%dma_start3A_385, %dma_start3A_386, %dma_start3A_387] : memref<2x200x128xf32, #tpu.memory_space<vmem>> -> memref<1x128x128xf32, #tpu.memory_space<vmem>>
      %dma_start3A_389 = tpu.memref_squeeze %dma_start3A_388 : memref<1x128x128xf32, #tpu.memory_space<vmem>> -> memref<128x128xf32, #tpu.memory_space<vmem>>
      %dma_start3A_390 = tpu.memref_slice %arg5[%add3A_384] : memref<25600xi32, #tpu.memory_space<vmem>> -> memref<128xi32, #tpu.memory_space<vmem>>
      %dma_start3A_391 = arith.constant 0 : i32
      %dma_start3A_392 = arith.constant 0 : i32
      %dma_start3A_393 = tpu.memref_slice %arg3[%dma_start3A_391, %dma_start3A_392] : memref<1000000x128xf32, #tpu.memory_space<hbm>> -> memref<1000000x128xf32, #tpu.memory_space<hbm>>
      tpu.enqueue_indirect_dma source(%dma_start3A_393 : memref<1000000x128xf32, #tpu.memory_space<hbm>>) target(%dma_start3A_389 : memref<128x128xf32, #tpu.memory_space<vmem>>) offsets(%dma_start3A_390 : memref<128xi32, #tpu.memory_space<vmem>>) semaphore(%arg8 : memref<!tpu.dma_semaphore, #tpu.memory_space<semaphore_mem>>)
      %mul3A_394 = arith.constant 200 : i32
      %mul3A_395 = arith.muli %add3A_380, %mul3A_394 : i32
      %add3A_396 = arith.constant 128 : i32
      %add3A_397 = arith.addi %mul3A_395, %add3A_396 : i32
      %dma_start3A_398 = arith.constant 0 : i32
      %dma_start3A_399 = arith.constant 128 : i32
      %dma_start3A_400 = arith.constant 0 : i32
      %dma_start3A_401 = tpu.memref_slice %arg6[%dma_start3A_398, %dma_start3A_399, %dma_start3A_400] : memref<2x200x128xf32, #tpu.memory_space<vmem>> -> memref<1x72x128xf32, #tpu.memory_space<vmem>>
      %dma_start3A_402 = tpu.memref_squeeze %dma_start3A_401 : memref<1x72x128xf32, #tpu.memory_space<vmem>> -> memref<72x128xf32, #tpu.memory_space<vmem>>
      %dma_start3A_403 = tpu.memref_slice %arg5[%add3A_397] : memref<25600xi32, #tpu.memory_space<vmem>> -> memref<72xi32, #tpu.memory_space<vmem>>
      %dma_start3A_404 = arith.constant 0 : i32
      %dma_start3A_405 = arith.constant 0 : i32
      %dma_start3A_406 = tpu.memref_slice %arg3[%dma_start3A_404, %dma_start3A_405] : memref<1000000x128xf32, #tpu.memory_space<hbm>> -> memref<1000000x128xf32, #tpu.memory_space<hbm>>
      tpu.enqueue_indirect_dma source(%dma_start3A_406 : memref<1000000x128xf32, #tpu.memory_space<hbm>>) target(%dma_start3A_402 : memref<72x128xf32, #tpu.memory_space<vmem>>) offsets(%dma_start3A_403 : memref<72xi32, #tpu.memory_space<vmem>>) semaphore(%arg8 : memref<!tpu.dma_semaphore, #tpu.memory_space<semaphore_mem>>)
      %add3A_407 = arith.constant 1 : i32
      %add3A_408 = arith.addi %mul3A_320, %add3A_407 : i32
      %dma_wait3A_409 = arith.constant 1 : i32
      %dma_wait3A_410 = arith.constant 0 : i32
      %dma_wait3A_411 = arith.constant 0 : i32
      %dma_wait3A_412 = tpu.memref_slice %arg6[%dma_wait3A_409, %dma_wait3A_410, %dma_wait3A_411] : memref<2x200x128xf32, #tpu.memory_space<vmem>> -> memref<1x128x128xf32, #tpu.memory_space<vmem>>
      %dma_wait3A_413 = tpu.memref_squeeze %dma_wait3A_412 : memref<1x128x128xf32, #tpu.memory_space<vmem>> -> memref<128x128xf32, #tpu.memory_space<vmem>>
      %dma_wait3A_414 = arith.constant 0 : i32
      %dma_wait3A_415 = tpu.memref_slice %arg5[%dma_wait3A_414] : memref<25600xi32, #tpu.memory_space<vmem>> -> memref<128xi32, #tpu.memory_space<vmem>>
      %dma_wait3A_416 = arith.constant 0 : i32
      %dma_wait3A_417 = arith.constant 0 : i32
      %dma_wait3A_418 = tpu.memref_slice %arg3[%dma_wait3A_416, %dma_wait3A_417] : memref<1000000x128xf32, #tpu.memory_space<hbm>> -> memref<1000000x128xf32, #tpu.memory_space<hbm>>
      tpu.wait_indirect_dma semaphore(%arg9 : memref<!tpu.dma_semaphore, #tpu.memory_space<semaphore_mem>>) src(%dma_wait3A_418 : memref<1000000x128xf32, #tpu.memory_space<hbm>>) dst(%dma_wait3A_413 : memref<128x128xf32, #tpu.memory_space<vmem>>)
      %dma_wait3A_419 = arith.constant 1 : i32
      %dma_wait3A_420 = arith.constant 128 : i32
      %dma_wait3A_421 = arith.constant 0 : i32
      %dma_wait3A_422 = tpu.memref_slice %arg6[%dma_wait3A_419, %dma_wait3A_420, %dma_wait3A_421] : memref<2x200x128xf32, #tpu.memory_space<vmem>> -> memref<1x72x128xf32, #tpu.memory_space<vmem>>
      %dma_wait3A_423 = tpu.memref_squeeze %dma_wait3A_422 : memref<1x72x128xf32, #tpu.memory_space<vmem>> -> memref<72x128xf32, #tpu.memory_space<vmem>>
      %dma_wait3A_424 = arith.constant 0 : i32
      %dma_wait3A_425 = tpu.memref_slice %arg5[%dma_wait3A_424] : memref<25600xi32, #tpu.memory_space<vmem>> -> memref<72xi32, #tpu.memory_space<vmem>>
      %dma_wait3A_426 = arith.constant 0 : i32
      %dma_wait3A_427 = arith.constant 0 : i32
      %dma_wait3A_428 = tpu.memref_slice %arg3[%dma_wait3A_426, %dma_wait3A_427] : memref<1000000x128xf32, #tpu.memory_space<hbm>> -> memref<1000000x128xf32, #tpu.memory_space<hbm>>
      tpu.wait_indirect_dma semaphore(%arg9 : memref<!tpu.dma_semaphore, #tpu.memory_space<semaphore_mem>>) src(%dma_wait3A_428 : memref<1000000x128xf32, #tpu.memory_space<hbm>>) dst(%dma_wait3A_423 : memref<72x128xf32, #tpu.memory_space<vmem>>)
      %dma_wait3A_429 = arith.constant 1 : i32
      %dma_wait3A_430 = arith.constant 0 : i32
      %dma_wait3A_431 = arith.constant 0 : i32
      %dma_wait3A_432 = tpu.memref_slice %arg7[%dma_wait3A_429, %dma_wait3A_430, %dma_wait3A_431] : memref<2x200x64xf32, #tpu.memory_space<vmem>> -> memref<1x200x64xf32, #tpu.memory_space<vmem>>
      %dma_wait3A_433 = tpu.memref_squeeze %dma_wait3A_432 : memref<1x200x64xf32, #tpu.memory_space<vmem>> -> memref<200x64xf32, #tpu.memory_space<vmem>>
      %dma_wait3A_434 = arith.constant 0 : i32
      %dma_wait3A_435 = arith.constant 0 : i32
      %dma_wait3A_436 = tpu.memref_slice %arg4[%dma_wait3A_434, %dma_wait3A_435] : memref<819200x64xf32, #tpu.memory_space<hbm>> -> memref<200x64xf32, #tpu.memory_space<hbm>>
      %dma_wait3A_437 = arith.constant 0 : i32
      %dma_wait3A_438 = arith.constant 0 : i32
      %dma_wait3A_439 = tpu.memref_slice %arg4[%dma_wait3A_437, %dma_wait3A_438] : memref<819200x64xf32, #tpu.memory_space<hbm>> -> memref<200x64xf32, #tpu.memory_space<hbm>>
      %dma_wait3A_440 = arith.constant 0 : i32
      %dma_wait3A_441 = arith.constant 0 : i32
      %dma_wait3A_442 = tpu.memref_slice %arg7[%dma_wait3A_429, %dma_wait3A_440, %dma_wait3A_441] : memref<2x200x64xf32, #tpu.memory_space<vmem>> -> memref<1x200x64xf32, #tpu.memory_space<vmem>>
      %dma_wait3A_443 = tpu.memref_squeeze %dma_wait3A_442 : memref<1x200x64xf32, #tpu.memory_space<vmem>> -> memref<200x64xf32, #tpu.memory_space<vmem>>
      tpu.wait_dma2 semaphore(%arg11 : memref<!tpu.dma_semaphore, #tpu.memory_space<semaphore_mem>>) src(%dma_wait3A_443 : memref<200x64xf32, #tpu.memory_space<vmem>>) dst(%dma_wait3A_439 : memref<200x64xf32, #tpu.memory_space<hbm>>)
      %parallel_loop3A_444 = arith.constant 0 : i32
      %parallel_loop3A_445 = arith.constant 200 : i32
      %parallel_loop3A_446 = arith.constant 1 : i32
      %parallel_loop3A_447 = arith.constant 1 : i32
      %parallel_loop3A_448 = arith.constant 1 : i32
      scf.for %parallel_loop3A_493 = %parallel_loop3A_444 to %parallel_loop3A_445 step %parallel_loop3A_446  : i32 {
        %parallel_loop3A_494 = arith.constant 0 : i32
        %parallel_loop3A_495 = arith.constant 0 : i32
        %parallel_loop3A_496 = tpu.memref_slice %arg6[%parallel_loop3A_447, %parallel_loop3A_494, %parallel_loop3A_495] : memref<2x200x128xf32, #tpu.memory_space<vmem>> -> memref<1x200x128xf32, #tpu.memory_space<vmem>>
        %parallel_loop3A_497 = tpu.memref_squeeze %parallel_loop3A_496 : memref<1x200x128xf32, #tpu.memory_space<vmem>> -> memref<200x128xf32, #tpu.memory_space<vmem>>
        %parallel_loop3A_498 = arith.index_cast %parallel_loop3A_493 : i32 to index
        %parallel_loop3A_499 = arith.constant 0 : index
        %parallel_loop3A_500 = tpu.vector_load %parallel_loop3A_497[%parallel_loop3A_498, %parallel_loop3A_499] {strides = array<i32>} : memref<200x128xf32, #tpu.memory_space<vmem>>, vector<1x16xf32>,
        %parallel_loop3A_501 = vector.shape_cast %parallel_loop3A_500 : vector<1x16xf32> to vector<16xf32>
        %parallel_loop3A_502 = arith.constant 8.000000e+00 : f32
        %parallel_loop3A_503 = vector.broadcast %parallel_loop3A_502 : f32 to vector<16xf32>
        %parallel_loop3A_504 = arith.mulf %parallel_loop3A_501, %parallel_loop3A_503 : vector<16xf32>
        %parallel_loop3A_505 = arith.constant 0 : i32
        %parallel_loop3A_506 = arith.constant 0 : i32
        %parallel_loop3A_507 = tpu.memref_slice %arg7[%parallel_loop3A_448, %parallel_loop3A_505, %parallel_loop3A_506] : memref<2x200x64xf32, #tpu.memory_space<vmem>> -> memref<1x200x64xf32, #tpu.memory_space<vmem>>
        %parallel_loop3A_508 = tpu.memref_squeeze %parallel_loop3A_507 : memref<1x200x64xf32, #tpu.memory_space<vmem>> -> memref<200x64xf32, #tpu.memory_space<vmem>>
        %parallel_loop3A_509 = arith.index_cast %parallel_loop3A_493 : i32 to index
        %parallel_loop3A_510 = arith.constant 0 : index
        %parallel_loop3A_511 = tpu.vector_load %parallel_loop3A_508[%parallel_loop3A_509, %parallel_loop3A_510] {strides = array<i32>} : memref<200x64xf32, #tpu.memory_space<vmem>>, vector<1x16xf32>,
        %parallel_loop3A_512 = vector.shape_cast %parallel_loop3A_511 : vector<1x16xf32> to vector<16xf32>
        %parallel_loop3A_513 = vector.shape_cast %parallel_loop3A_504 : vector<16xf32> to vector<1x16xf32>
        tpu.vector_store %parallel_loop3A_508[%parallel_loop3A_509, %parallel_loop3A_510], %parallel_loop3A_513 {strides = array<i32>} : memref<200x64xf32, #tpu.memory_space<vmem>>, vector<1x16xf32>,
        %parallel_loop3A_514 = arith.constant 0 : i32
        %parallel_loop3A_515 = arith.constant 0 : i32
        %parallel_loop3A_516 = tpu.memref_slice %arg6[%parallel_loop3A_447, %parallel_loop3A_514, %parallel_loop3A_515] : memref<2x200x128xf32, #tpu.memory_space<vmem>> -> memref<1x200x128xf32, #tpu.memory_space<vmem>>
        %parallel_loop3A_517 = tpu.memref_squeeze %parallel_loop3A_516 : memref<1x200x128xf32, #tpu.memory_space<vmem>> -> memref<200x128xf32, #tpu.memory_space<vmem>>
        %parallel_loop3A_518 = arith.index_cast %parallel_loop3A_493 : i32 to index
        %parallel_loop3A_519 = arith.constant 16 : index
        %parallel_loop3A_520 = tpu.vector_load %parallel_loop3A_517[%parallel_loop3A_518, %parallel_loop3A_519] {strides = array<i32>} : memref<200x128xf32, #tpu.memory_space<vmem>>, vector<1x16xf32>,
        %parallel_loop3A_521 = vector.shape_cast %parallel_loop3A_520 : vector<1x16xf32> to vector<16xf32>
        %parallel_loop3A_522 = arith.constant 8.000000e+00 : f32
        %parallel_loop3A_523 = vector.broadcast %parallel_loop3A_522 : f32 to vector<16xf32>
        %parallel_loop3A_524 = arith.mulf %parallel_loop3A_521, %parallel_loop3A_523 : vector<16xf32>
        %parallel_loop3A_525 = arith.constant 0 : i32
        %parallel_loop3A_526 = arith.constant 0 : i32
        %parallel_loop3A_527 = tpu.memref_slice %arg7[%parallel_loop3A_448, %parallel_loop3A_525, %parallel_loop3A_526] : memref<2x200x64xf32, #tpu.memory_space<vmem>> -> memref<1x200x64xf32, #tpu.memory_space<vmem>>
        %parallel_loop3A_528 = tpu.memref_squeeze %parallel_loop3A_527 : memref<1x200x64xf32, #tpu.memory_space<vmem>> -> memref<200x64xf32, #tpu.memory_space<vmem>>
        %parallel_loop3A_529 = arith.index_cast %parallel_loop3A_493 : i32 to index
        %parallel_loop3A_530 = arith.constant 16 : index
        %parallel_loop3A_531 = tpu.vector_load %parallel_loop3A_528[%parallel_loop3A_529, %parallel_loop3A_530] {strides = array<i32>} : memref<200x64xf32, #tpu.memory_space<vmem>>, vector<1x16xf32>,
        %parallel_loop3A_532 = vector.shape_cast %parallel_loop3A_531 : vector<1x16xf32> to vector<16xf32>
        %parallel_loop3A_533 = vector.shape_cast %parallel_loop3A_524 : vector<16xf32> to vector<1x16xf32>
        tpu.vector_store %parallel_loop3A_528[%parallel_loop3A_529, %parallel_loop3A_530], %parallel_loop3A_533 {strides = array<i32>} : memref<200x64xf32, #tpu.memory_space<vmem>>, vector<1x16xf32>,
        %parallel_loop3A_534 = arith.constant 0 : i32
        %parallel_loop3A_535 = arith.constant 0 : i32
        %parallel_loop3A_536 = tpu.memref_slice %arg6[%parallel_loop3A_447, %parallel_loop3A_534, %parallel_loop3A_535] : memref<2x200x128xf32, #tpu.memory_space<vmem>> -> memref<1x200x128xf32, #tpu.memory_space<vmem>>
        %parallel_loop3A_537 = tpu.memref_squeeze %parallel_loop3A_536 : memref<1x200x128xf32, #tpu.memory_space<vmem>> -> memref<200x128xf32, #tpu.memory_space<vmem>>
        %parallel_loop3A_538 = arith.index_cast %parallel_loop3A_493 : i32 to index
        %parallel_loop3A_539 = arith.constant 32 : index
        %parallel_loop3A_540 = tpu.vector_load %parallel_loop3A_537[%parallel_loop3A_538, %parallel_loop3A_539] {strides = array<i32>} : memref<200x128xf32, #tpu.memory_space<vmem>>, vector<1x16xf32>,
        %parallel_loop3A_541 = vector.shape_cast %parallel_loop3A_540 : vector<1x16xf32> to vector<16xf32>
        %parallel_loop3A_542 = arith.constant 8.000000e+00 : f32
        %parallel_loop3A_543 = vector.broadcast %parallel_loop3A_542 : f32 to vector<16xf32>
        %parallel_loop3A_544 = arith.mulf %parallel_loop3A_541, %parallel_loop3A_543 : vector<16xf32>
        %parallel_loop3A_545 = arith.constant 0 : i32
        %parallel_loop3A_546 = arith.constant 0 : i32
        %parallel_loop3A_547 = tpu.memref_slice %arg7[%parallel_loop3A_448, %parallel_loop3A_545, %parallel_loop3A_546] : memref<2x200x64xf32, #tpu.memory_space<vmem>> -> memref<1x200x64xf32, #tpu.memory_space<vmem>>
        %parallel_loop3A_548 = tpu.memref_squeeze %parallel_loop3A_547 : memref<1x200x64xf32, #tpu.memory_space<vmem>> -> memref<200x64xf32, #tpu.memory_space<vmem>>
        %parallel_loop3A_549 = arith.index_cast %parallel_loop3A_493 : i32 to index
        %parallel_loop3A_550 = arith.constant 32 : index
        %parallel_loop3A_551 = tpu.vector_load %parallel_loop3A_548[%parallel_loop3A_549, %parallel_loop3A_550] {strides = array<i32>} : memref<200x64xf32, #tpu.memory_space<vmem>>, vector<1x16xf32>,
        %parallel_loop3A_552 = vector.shape_cast %parallel_loop3A_551 : vector<1x16xf32> to vector<16xf32>
        %parallel_loop3A_553 = vector.shape_cast %parallel_loop3A_544 : vector<16xf32> to vector<1x16xf32>
        tpu.vector_store %parallel_loop3A_548[%parallel_loop3A_549, %parallel_loop3A_550], %parallel_loop3A_553 {strides = array<i32>} : memref<200x64xf32, #tpu.memory_space<vmem>>, vector<1x16xf32>,
        %parallel_loop3A_554 = arith.constant 0 : i32
        %parallel_loop3A_555 = arith.constant 0 : i32
        %parallel_loop3A_556 = tpu.memref_slice %arg6[%parallel_loop3A_447, %parallel_loop3A_554, %parallel_loop3A_555] : memref<2x200x128xf32, #tpu.memory_space<vmem>> -> memref<1x200x128xf32, #tpu.memory_space<vmem>>
        %parallel_loop3A_557 = tpu.memref_squeeze %parallel_loop3A_556 : memref<1x200x128xf32, #tpu.memory_space<vmem>> -> memref<200x128xf32, #tpu.memory_space<vmem>>
        %parallel_loop3A_558 = arith.index_cast %parallel_loop3A_493 : i32 to index
        %parallel_loop3A_559 = arith.constant 48 : index
        %parallel_loop3A_560 = tpu.vector_load %parallel_loop3A_557[%parallel_loop3A_558, %parallel_loop3A_559] {strides = array<i32>} : memref<200x128xf32, #tpu.memory_space<vmem>>, vector<1x16xf32>,
        %parallel_loop3A_561 = vector.shape_cast %parallel_loop3A_560 : vector<1x16xf32> to vector<16xf32>
        %parallel_loop3A_562 = arith.constant 8.000000e+00 : f32
        %parallel_loop3A_563 = vector.broadcast %parallel_loop3A_562 : f32 to vector<16xf32>
        %parallel_loop3A_564 = arith.mulf %parallel_loop3A_561, %parallel_loop3A_563 : vector<16xf32>
        %parallel_loop3A_565 = arith.constant 0 : i32
        %parallel_loop3A_566 = arith.constant 0 : i32
        %parallel_loop3A_567 = tpu.memref_slice %arg7[%parallel_loop3A_448, %parallel_loop3A_565, %parallel_loop3A_566] : memref<2x200x64xf32, #tpu.memory_space<vmem>> -> memref<1x200x64xf32, #tpu.memory_space<vmem>>
        %parallel_loop3A_568 = tpu.memref_squeeze %parallel_loop3A_567 : memref<1x200x64xf32, #tpu.memory_space<vmem>> -> memref<200x64xf32, #tpu.memory_space<vmem>>
        %parallel_loop3A_569 = arith.index_cast %parallel_loop3A_493 : i32 to index
        %parallel_loop3A_570 = arith.constant 48 : index
        %parallel_loop3A_571 = tpu.vector_load %parallel_loop3A_568[%parallel_loop3A_569, %parallel_loop3A_570] {strides = array<i32>} : memref<200x64xf32, #tpu.memory_space<vmem>>, vector<1x16xf32>,
        %parallel_loop3A_572 = vector.shape_cast %parallel_loop3A_571 : vector<1x16xf32> to vector<16xf32>
        %parallel_loop3A_573 = vector.shape_cast %parallel_loop3A_564 : vector<16xf32> to vector<1x16xf32>
        tpu.vector_store %parallel_loop3A_568[%parallel_loop3A_569, %parallel_loop3A_570], %parallel_loop3A_573 {strides = array<i32>} : memref<200x64xf32, #tpu.memory_space<vmem>>, vector<1x16xf32>,
      } {sc.loop_unroll_factor = 4 : i64, sc.parallel_access}
      %add3A_449 = arith.addi %mul3A_2, %add3A_408 : i32
      %mul3A_450 = arith.constant 200 : i32
      %mul3A_451 = arith.muli %add3A_449, %mul3A_450 : i32
      %dma_start3A_452 = arith.constant 1 : i32
      %dma_start3A_453 = arith.constant 0 : i32
      %dma_start3A_454 = arith.constant 0 : i32
      %dma_start3A_455 = tpu.memref_slice %arg7[%dma_start3A_452, %dma_start3A_453, %dma_start3A_454] : memref<2x200x64xf32, #tpu.memory_space<vmem>> -> memref<1x200x64xf32, #tpu.memory_space<vmem>>
      %dma_start3A_456 = tpu.memref_squeeze %dma_start3A_455 : memref<1x200x64xf32, #tpu.memory_space<vmem>> -> memref<200x64xf32, #tpu.memory_space<vmem>>
      %dma_start3A_457 = arith.constant 0 : i32
      %dma_start3A_458 = tpu.memref_slice %arg4[%mul3A_451, %dma_start3A_457] : memref<819200x64xf32, #tpu.memory_space<hbm>> -> memref<200x64xf32, #tpu.memory_space<hbm>>
      %dma_start3A_459 = arith.constant 0 : i32
      %dma_start3A_460 = tpu.memref_slice %arg4[%mul3A_451, %dma_start3A_459] : memref<819200x64xf32, #tpu.memory_space<hbm>> -> memref<200x64xf32, #tpu.memory_space<hbm>>
      %dma_start3A_461 = arith.constant 0 : i32
      %dma_start3A_462 = arith.constant 0 : i32
      %dma_start3A_463 = tpu.memref_slice %arg7[%dma_start3A_452, %dma_start3A_461, %dma_start3A_462] : memref<2x200x64xf32, #tpu.memory_space<vmem>> -> memref<1x200x64xf32, #tpu.memory_space<vmem>>
      %dma_start3A_464 = tpu.memref_squeeze %dma_start3A_463 : memref<1x200x64xf32, #tpu.memory_space<vmem>> -> memref<200x64xf32, #tpu.memory_space<vmem>>
      tpu.enqueue_dma source(%dma_start3A_464 : memref<200x64xf32, #tpu.memory_space<vmem>>) target(%dma_start3A_460 : memref<200x64xf32, #tpu.memory_space<hbm>>) target_semaphore(%arg11 : memref<!tpu.dma_semaphore, #tpu.memory_space<semaphore_mem>>)
      %add3A_465 = arith.constant 2 : i32
      %add3A_466 = arith.addi %add3A_408, %add3A_465 : i32
      %mul3A_467 = arith.constant 200 : i32
      %mul3A_468 = arith.muli %add3A_466, %mul3A_467 : i32
      %add3A_469 = arith.constant 0 : i32
      %add3A_470 = arith.addi %mul3A_468, %add3A_469 : i32
      %dma_start3A_471 = arith.constant 1 : i32
      %dma_start3A_472 = arith.constant 0 : i32
      %dma_start3A_473 = arith.constant 0 : i32
      %dma_start3A_474 = tpu.memref_slice %arg6[%dma_start3A_471, %dma_start3A_472, %dma_start3A_473] : memref<2x200x128xf32, #tpu.memory_space<vmem>> -> memref<1x128x128xf32, #tpu.memory_space<vmem>>
      %dma_start3A_475 = tpu.memref_squeeze %dma_start3A_474 : memref<1x128x128xf32, #tpu.memory_space<vmem>> -> memref<128x128xf32, #tpu.memory_space<vmem>>
      %dma_start3A_476 = tpu.memref_slice %arg5[%add3A_470] : memref<25600xi32, #tpu.memory_space<vmem>> -> memref<128xi32, #tpu.memory_space<vmem>>
      %dma_start3A_477 = arith.constant 0 : i32
      %dma_start3A_478 = arith.constant 0 : i32
      %dma_start3A_479 = tpu.memref_slice %arg3[%dma_start3A_477, %dma_start3A_478] : memref<1000000x128xf32, #tpu.memory_space<hbm>> -> memref<1000000x128xf32, #tpu.memory_space<hbm>>
      tpu.enqueue_indirect_dma source(%dma_start3A_479 : memref<1000000x128xf32, #tpu.memory_space<hbm>>) target(%dma_start3A_475 : memref<128x128xf32, #tpu.memory_space<vmem>>) offsets(%dma_start3A_476 : memref<128xi32, #tpu.memory_space<vmem>>) semaphore(%arg9 : memref<!tpu.dma_semaphore, #tpu.memory_space<semaphore_mem>>)
      %mul3A_480 = arith.constant 200 : i32
      %mul3A_481 = arith.muli %add3A_466, %mul3A_480 : i32
      %add3A_482 = arith.constant 128 : i32
      %add3A_483 = arith.addi %mul3A_481, %add3A_482 : i32
      %dma_start3A_484 = arith.constant 1 : i32
      %dma_start3A_485 = arith.constant 128 : i32
      %dma_start3A_486 = arith.constant 0 : i32
      %dma_start3A_487 = tpu.memref_slice %arg6[%dma_start3A_484, %dma_start3A_485, %dma_start3A_486] : memref<2x200x128xf32, #tpu.memory_space<vmem>> -> memref<1x72x128xf32, #tpu.memory_space<vmem>>
      %dma_start3A_488 = tpu.memref_squeeze %dma_start3A_487 : memref<1x72x128xf32, #tpu.memory_space<vmem>> -> memref<72x128xf32, #tpu.memory_space<vmem>>
      %dma_start3A_489 = tpu.memref_slice %arg5[%add3A_483] : memref<25600xi32, #tpu.memory_space<vmem>> -> memref<72xi32, #tpu.memory_space<vmem>>
      %dma_start3A_490 = arith.constant 0 : i32
      %dma_start3A_491 = arith.constant 0 : i32
      %dma_start3A_492 = tpu.memref_slice %arg3[%dma_start3A_490, %dma_start3A_491] : memref<1000000x128xf32, #tpu.memory_space<hbm>> -> memref<1000000x128xf32, #tpu.memory_space<hbm>>
      tpu.enqueue_indirect_dma source(%dma_start3A_492 : memref<1000000x128xf32, #tpu.memory_space<hbm>>) target(%dma_start3A_488 : memref<72x128xf32, #tpu.memory_space<vmem>>) offsets(%dma_start3A_489 : memref<72xi32, #tpu.memory_space<vmem>>) semaphore(%arg9 : memref<!tpu.dma_semaphore, #tpu.memory_space<semaphore_mem>>)
    }
    %scan3A_169 = arith.constant 62 : i32
    %dma_wait3A_170 = arith.constant 0 : i32
    %dma_wait3A_171 = arith.constant 0 : i32
    %dma_wait3A_172 = arith.constant 0 : i32
    %dma_wait3A_173 = tpu.memref_slice %arg6[%dma_wait3A_170, %dma_wait3A_171, %dma_wait3A_172] : memref<2x200x128xf32, #tpu.memory_space<vmem>> -> memref<1x128x128xf32, #tpu.memory_space<vmem>>
    %dma_wait3A_174 = tpu.memref_squeeze %dma_wait3A_173 : memref<1x128x128xf32, #tpu.memory_space<vmem>> -> memref<128x128xf32, #tpu.memory_space<vmem>>
    %dma_wait3A_175 = arith.constant 0 : i32
    %dma_wait3A_176 = tpu.memref_slice %arg5[%dma_wait3A_175] : memref<25600xi32, #tpu.memory_space<vmem>> -> memref<128xi32, #tpu.memory_space<vmem>>
    %dma_wait3A_177 = arith.constant 0 : i32
    %dma_wait3A_178 = arith.constant 0 : i32
    %dma_wait3A_179 = tpu.memref_slice %arg3[%dma_wait3A_177, %dma_wait3A_178] : memref<1000000x128xf32, #tpu.memory_space<hbm>> -> memref<1000000x128xf32, #tpu.memory_space<hbm>>
    tpu.wait_indirect_dma semaphore(%arg8 : memref<!tpu.dma_semaphore, #tpu.memory_space<semaphore_mem>>) src(%dma_wait3A_179 : memref<1000000x128xf32, #tpu.memory_space<hbm>>) dst(%dma_wait3A_174 : memref<128x128xf32, #tpu.memory_space<vmem>>)
    %dma_wait3A_180 = arith.constant 0 : i32
    %dma_wait3A_181 = arith.constant 128 : i32
    %dma_wait3A_182 = arith.constant 0 : i32
    %dma_wait3A_183 = tpu.memref_slice %arg6[%dma_wait3A_180, %dma_wait3A_181, %dma_wait3A_182] : memref<2x200x128xf32, #tpu.memory_space<vmem>> -> memref<1x72x128xf32, #tpu.memory_space<vmem>>
    %dma_wait3A_184 = tpu.memref_squeeze %dma_wait3A_183 : memref<1x72x128xf32, #tpu.memory_space<vmem>> -> memref<72x128xf32, #tpu.memory_space<vmem>>
    %dma_wait3A_185 = arith.constant 0 : i32
    %dma_wait3A_186 = tpu.memref_slice %arg5[%dma_wait3A_185] : memref<25600xi32, #tpu.memory_space<vmem>> -> memref<72xi32, #tpu.memory_space<vmem>>
    %dma_wait3A_187 = arith.constant 0 : i32
    %dma_wait3A_188 = arith.constant 0 : i32
    %dma_wait3A_189 = tpu.memref_slice %arg3[%dma_wait3A_187, %dma_wait3A_188] : memref<1000000x128xf32, #tpu.memory_space<hbm>> -> memref<1000000x128xf32, #tpu.memory_space<hbm>>
    tpu.wait_indirect_dma semaphore(%arg8 : memref<!tpu.dma_semaphore, #tpu.memory_space<semaphore_mem>>) src(%dma_wait3A_189 : memref<1000000x128xf32, #tpu.memory_space<hbm>>) dst(%dma_wait3A_184 : memref<72x128xf32, #tpu.memory_space<vmem>>)
    %dma_wait3A_190 = arith.constant 0 : i32
    %dma_wait3A_191 = arith.constant 0 : i32
    %dma_wait3A_192 = arith.constant 0 : i32
    %dma_wait3A_193 = tpu.memref_slice %arg7[%dma_wait3A_190, %dma_wait3A_191, %dma_wait3A_192] : memref<2x200x64xf32, #tpu.memory_space<vmem>> -> memref<1x200x64xf32, #tpu.memory_space<vmem>>
    %dma_wait3A_194 = tpu.memref_squeeze %dma_wait3A_193 : memref<1x200x64xf32, #tpu.memory_space<vmem>> -> memref<200x64xf32, #tpu.memory_space<vmem>>
    %dma_wait3A_195 = arith.constant 0 : i32
    %dma_wait3A_196 = arith.constant 0 : i32
    %dma_wait3A_197 = tpu.memref_slice %arg4[%dma_wait3A_195, %dma_wait3A_196] : memref<819200x64xf32, #tpu.memory_space<hbm>> -> memref<200x64xf32, #tpu.memory_space<hbm>>
    %dma_wait3A_198 = arith.constant 0 : i32
    %dma_wait3A_199 = arith.constant 0 : i32
    %dma_wait3A_200 = tpu.memref_slice %arg4[%dma_wait3A_198, %dma_wait3A_199] : memref<819200x64xf32, #tpu.memory_space<hbm>> -> memref<200x64xf32, #tpu.memory_space<hbm>>
    %dma_wait3A_201 = arith.constant 0 : i32
    %dma_wait3A_202 = arith.constant 0 : i32
    %dma_wait3A_203 = tpu.memref_slice %arg7[%dma_wait3A_190, %dma_wait3A_201, %dma_wait3A_202] : memref<2x200x64xf32, #tpu.memory_space<vmem>> -> memref<1x200x64xf32, #tpu.memory_space<vmem>>
    %dma_wait3A_204 = tpu.memref_squeeze %dma_wait3A_203 : memref<1x200x64xf32, #tpu.memory_space<vmem>> -> memref<200x64xf32, #tpu.memory_space<vmem>>
    tpu.wait_dma2 semaphore(%arg10 : memref<!tpu.dma_semaphore, #tpu.memory_space<semaphore_mem>>) src(%dma_wait3A_204 : memref<200x64xf32, #tpu.memory_space<vmem>>) dst(%dma_wait3A_200 : memref<200x64xf32, #tpu.memory_space<hbm>>)
    %parallel_loop3A_205 = arith.constant 0 : i32
    %parallel_loop3A_206 = arith.constant 200 : i32
    %parallel_loop3A_207 = arith.constant 1 : i32
    %parallel_loop3A_208 = arith.constant 0 : i32
    %parallel_loop3A_209 = arith.constant 0 : i32
    scf.for %parallel_loop3A_314 = %parallel_loop3A_205 to %parallel_loop3A_206 step %parallel_loop3A_207  : i32 {
      %parallel_loop3A_315 = arith.constant 0 : i32
      %parallel_loop3A_316 = arith.constant 0 : i32
      %parallel_loop3A_317 = tpu.memref_slice %arg6[%parallel_loop3A_208, %parallel_loop3A_315, %parallel_loop3A_316] : memref<2x200x128xf32, #tpu.memory_space<vmem>> -> memref<1x200x128xf32, #tpu.memory_space<vmem>>
      %parallel_loop3A_318 = tpu.memref_squeeze %parallel_loop3A_317 : memref<1x200x128xf32, #tpu.memory_space<vmem>> -> memref<200x128xf32, #tpu.memory_space<vmem>>
      %parallel_loop3A_319 = arith.index_cast %parallel_loop3A_314 : i32 to index
      %parallel_loop3A_320 = arith.constant 0 : index
      %parallel_loop3A_321 = tpu.vector_load %parallel_loop3A_318[%parallel_loop3A_319, %parallel_loop3A_320] {strides = array<i32>} : memref<200x128xf32, #tpu.memory_space<vmem>>, vector<1x16xf32>,
      %parallel_loop3A_322 = vector.shape_cast %parallel_loop3A_321 : vector<1x16xf32> to vector<16xf32>
      %parallel_loop3A_323 = arith.constant 8.000000e+00 : f32
      %parallel_loop3A_324 = vector.broadcast %parallel_loop3A_323 : f32 to vector<16xf32>
      %parallel_loop3A_325 = arith.mulf %parallel_loop3A_322, %parallel_loop3A_324 : vector<16xf32>
      %parallel_loop3A_326 = arith.constant 0 : i32
      %parallel_loop3A_327 = arith.constant 0 : i32
      %parallel_loop3A_328 = tpu.memref_slice %arg7[%parallel_loop3A_209, %parallel_loop3A_326, %parallel_loop3A_327] : memref<2x200x64xf32, #tpu.memory_space<vmem>> -> memref<1x200x64xf32, #tpu.memory_space<vmem>>
      %parallel_loop3A_329 = tpu.memref_squeeze %parallel_loop3A_328 : memref<1x200x64xf32, #tpu.memory_space<vmem>> -> memref<200x64xf32, #tpu.memory_space<vmem>>
      %parallel_loop3A_330 = arith.index_cast %parallel_loop3A_314 : i32 to index
      %parallel_loop3A_331 = arith.constant 0 : index
      %parallel_loop3A_332 = tpu.vector_load %parallel_loop3A_329[%parallel_loop3A_330, %parallel_loop3A_331] {strides = array<i32>} : memref<200x64xf32, #tpu.memory_space<vmem>>, vector<1x16xf32>,
      %parallel_loop3A_333 = vector.shape_cast %parallel_loop3A_332 : vector<1x16xf32> to vector<16xf32>
      %parallel_loop3A_334 = vector.shape_cast %parallel_loop3A_325 : vector<16xf32> to vector<1x16xf32>
      tpu.vector_store %parallel_loop3A_329[%parallel_loop3A_330, %parallel_loop3A_331], %parallel_loop3A_334 {strides = array<i32>} : memref<200x64xf32, #tpu.memory_space<vmem>>, vector<1x16xf32>,
      %parallel_loop3A_335 = arith.constant 0 : i32
      %parallel_loop3A_336 = arith.constant 0 : i32
      %parallel_loop3A_337 = tpu.memref_slice %arg6[%parallel_loop3A_208, %parallel_loop3A_335, %parallel_loop3A_336] : memref<2x200x128xf32, #tpu.memory_space<vmem>> -> memref<1x200x128xf32, #tpu.memory_space<vmem>>
      %parallel_loop3A_338 = tpu.memref_squeeze %parallel_loop3A_337 : memref<1x200x128xf32, #tpu.memory_space<vmem>> -> memref<200x128xf32, #tpu.memory_space<vmem>>
      %parallel_loop3A_339 = arith.index_cast %parallel_loop3A_314 : i32 to index
      %parallel_loop3A_340 = arith.constant 16 : index
      %parallel_loop3A_341 = tpu.vector_load %parallel_loop3A_338[%parallel_loop3A_339, %parallel_loop3A_340] {strides = array<i32>} : memref<200x128xf32, #tpu.memory_space<vmem>>, vector<1x16xf32>,
      %parallel_loop3A_342 = vector.shape_cast %parallel_loop3A_341 : vector<1x16xf32> to vector<16xf32>
      %parallel_loop3A_343 = arith.constant 8.000000e+00 : f32
      %parallel_loop3A_344 = vector.broadcast %parallel_loop3A_343 : f32 to vector<16xf32>
      %parallel_loop3A_345 = arith.mulf %parallel_loop3A_342, %parallel_loop3A_344 : vector<16xf32>
      %parallel_loop3A_346 = arith.constant 0 : i32
      %parallel_loop3A_347 = arith.constant 0 : i32
      %parallel_loop3A_348 = tpu.memref_slice %arg7[%parallel_loop3A_209, %parallel_loop3A_346, %parallel_loop3A_347] : memref<2x200x64xf32, #tpu.memory_space<vmem>> -> memref<1x200x64xf32, #tpu.memory_space<vmem>>
      %parallel_loop3A_349 = tpu.memref_squeeze %parallel_loop3A_348 : memref<1x200x64xf32, #tpu.memory_space<vmem>> -> memref<200x64xf32, #tpu.memory_space<vmem>>
      %parallel_loop3A_350 = arith.index_cast %parallel_loop3A_314 : i32 to index
      %parallel_loop3A_351 = arith.constant 16 : index
      %parallel_loop3A_352 = tpu.vector_load %parallel_loop3A_349[%parallel_loop3A_350, %parallel_loop3A_351] {strides = array<i32>} : memref<200x64xf32, #tpu.memory_space<vmem>>, vector<1x16xf32>,
      %parallel_loop3A_353 = vector.shape_cast %parallel_loop3A_352 : vector<1x16xf32> to vector<16xf32>
      %parallel_loop3A_354 = vector.shape_cast %parallel_loop3A_345 : vector<16xf32> to vector<1x16xf32>
      tpu.vector_store %parallel_loop3A_349[%parallel_loop3A_350, %parallel_loop3A_351], %parallel_loop3A_354 {strides = array<i32>} : memref<200x64xf32, #tpu.memory_space<vmem>>, vector<1x16xf32>,
      %parallel_loop3A_355 = arith.constant 0 : i32
      %parallel_loop3A_356 = arith.constant 0 : i32
      %parallel_loop3A_357 = tpu.memref_slice %arg6[%parallel_loop3A_208, %parallel_loop3A_355, %parallel_loop3A_356] : memref<2x200x128xf32, #tpu.memory_space<vmem>> -> memref<1x200x128xf32, #tpu.memory_space<vmem>>
      %parallel_loop3A_358 = tpu.memref_squeeze %parallel_loop3A_357 : memref<1x200x128xf32, #tpu.memory_space<vmem>> -> memref<200x128xf32, #tpu.memory_space<vmem>>
      %parallel_loop3A_359 = arith.index_cast %parallel_loop3A_314 : i32 to index
      %parallel_loop3A_360 = arith.constant 32 : index
      %parallel_loop3A_361 = tpu.vector_load %parallel_loop3A_358[%parallel_loop3A_359, %parallel_loop3A_360] {strides = array<i32>} : memref<200x128xf32, #tpu.memory_space<vmem>>, vector<1x16xf32>,
      %parallel_loop3A_362 = vector.shape_cast %parallel_loop3A_361 : vector<1x16xf32> to vector<16xf32>
      %parallel_loop3A_363 = arith.constant 8.000000e+00 : f32
      %parallel_loop3A_364 = vector.broadcast %parallel_loop3A_363 : f32 to vector<16xf32>
      %parallel_loop3A_365 = arith.mulf %parallel_loop3A_362, %parallel_loop3A_364 : vector<16xf32>
      %parallel_loop3A_366 = arith.constant 0 : i32
      %parallel_loop3A_367 = arith.constant 0 : i32
      %parallel_loop3A_368 = tpu.memref_slice %arg7[%parallel_loop3A_209, %parallel_loop3A_366, %parallel_loop3A_367] : memref<2x200x64xf32, #tpu.memory_space<vmem>> -> memref<1x200x64xf32, #tpu.memory_space<vmem>>
      %parallel_loop3A_369 = tpu.memref_squeeze %parallel_loop3A_368 : memref<1x200x64xf32, #tpu.memory_space<vmem>> -> memref<200x64xf32, #tpu.memory_space<vmem>>
      %parallel_loop3A_370 = arith.index_cast %parallel_loop3A_314 : i32 to index
      %parallel_loop3A_371 = arith.constant 32 : index
      %parallel_loop3A_372 = tpu.vector_load %parallel_loop3A_369[%parallel_loop3A_370, %parallel_loop3A_371] {strides = array<i32>} : memref<200x64xf32, #tpu.memory_space<vmem>>, vector<1x16xf32>,
      %parallel_loop3A_373 = vector.shape_cast %parallel_loop3A_372 : vector<1x16xf32> to vector<16xf32>
      %parallel_loop3A_374 = vector.shape_cast %parallel_loop3A_365 : vector<16xf32> to vector<1x16xf32>
      tpu.vector_store %parallel_loop3A_369[%parallel_loop3A_370, %parallel_loop3A_371], %parallel_loop3A_374 {strides = array<i32>} : memref<200x64xf32, #tpu.memory_space<vmem>>, vector<1x16xf32>,
      %parallel_loop3A_375 = arith.constant 0 : i32
      %parallel_loop3A_376 = arith.constant 0 : i32
      %parallel_loop3A_377 = tpu.memref_slice %arg6[%parallel_loop3A_208, %parallel_loop3A_375, %parallel_loop3A_376] : memref<2x200x128xf32, #tpu.memory_space<vmem>> -> memref<1x200x128xf32, #tpu.memory_space<vmem>>
      %parallel_loop3A_378 = tpu.memref_squeeze %parallel_loop3A_377 : memref<1x200x128xf32, #tpu.memory_space<vmem>> -> memref<200x128xf32, #tpu.memory_space<vmem>>
      %parallel_loop3A_379 = arith.index_cast %parallel_loop3A_314 : i32 to index
      %parallel_loop3A_380 = arith.constant 48 : index
      %parallel_loop3A_381 = tpu.vector_load %parallel_loop3A_378[%parallel_loop3A_379, %parallel_loop3A_380] {strides = array<i32>} : memref<200x128xf32, #tpu.memory_space<vmem>>, vector<1x16xf32>,
      %parallel_loop3A_382 = vector.shape_cast %parallel_loop3A_381 : vector<1x16xf32> to vector<16xf32>
      %parallel_loop3A_383 = arith.constant 8.000000e+00 : f32
      %parallel_loop3A_384 = vector.broadcast %parallel_loop3A_383 : f32 to vector<16xf32>
      %parallel_loop3A_385 = arith.mulf %parallel_loop3A_382, %parallel_loop3A_384 : vector<16xf32>
      %parallel_loop3A_386 = arith.constant 0 : i32
      %parallel_loop3A_387 = arith.constant 0 : i32
      %parallel_loop3A_388 = tpu.memref_slice %arg7[%parallel_loop3A_209, %parallel_loop3A_386, %parallel_loop3A_387] : memref<2x200x64xf32, #tpu.memory_space<vmem>> -> memref<1x200x64xf32, #tpu.memory_space<vmem>>
      %parallel_loop3A_389 = tpu.memref_squeeze %parallel_loop3A_388 : memref<1x200x64xf32, #tpu.memory_space<vmem>> -> memref<200x64xf32, #tpu.memory_space<vmem>>
      %parallel_loop3A_390 = arith.index_cast %parallel_loop3A_314 : i32 to index
      %parallel_loop3A_391 = arith.constant 48 : index
      %parallel_loop3A_392 = tpu.vector_load %parallel_loop3A_389[%parallel_loop3A_390, %parallel_loop3A_391] {strides = array<i32>} : memref<200x64xf32, #tpu.memory_space<vmem>>, vector<1x16xf32>,
      %parallel_loop3A_393 = vector.shape_cast %parallel_loop3A_392 : vector<1x16xf32> to vector<16xf32>
      %parallel_loop3A_394 = vector.shape_cast %parallel_loop3A_385 : vector<16xf32> to vector<1x16xf32>
      tpu.vector_store %parallel_loop3A_389[%parallel_loop3A_390, %parallel_loop3A_391], %parallel_loop3A_394 {strides = array<i32>} : memref<200x64xf32, #tpu.memory_space<vmem>>, vector<1x16xf32>,
    } {sc.loop_unroll_factor = 4 : i64, sc.parallel_access}
    %add3A_210 = arith.constant 126 : i32
    %add3A_211 = arith.addi %mul3A_2, %add3A_210 : i32
    %mul3A_212 = arith.constant 200 : i32
    %mul3A_213 = arith.muli %add3A_211, %mul3A_212 : i32
    %dma_start3A_214 = arith.constant 0 : i32
    %dma_start3A_215 = arith.constant 0 : i32
    %dma_start3A_216 = arith.constant 0 : i32
    %dma_start3A_217 = tpu.memref_slice %arg7[%dma_start3A_214, %dma_start3A_215, %dma_start3A_216] : memref<2x200x64xf32, #tpu.memory_space<vmem>> -> memref<1x200x64xf32, #tpu.memory_space<vmem>>
    %dma_start3A_218 = tpu.memref_squeeze %dma_start3A_217 : memref<1x200x64xf32, #tpu.memory_space<vmem>> -> memref<200x64xf32, #tpu.memory_space<vmem>>
    %dma_start3A_219 = arith.constant 0 : i32
    %dma_start3A_220 = tpu.memref_slice %arg4[%mul3A_213, %dma_start3A_219] : memref<819200x64xf32, #tpu.memory_space<hbm>> -> memref<200x64xf32, #tpu.memory_space<hbm>>
    %dma_start3A_221 = arith.constant 0 : i32
    %dma_start3A_222 = tpu.memref_slice %arg4[%mul3A_213, %dma_start3A_221] : memref<819200x64xf32, #tpu.memory_space<hbm>> -> memref<200x64xf32, #tpu.memory_space<hbm>>
    %dma_start3A_223 = arith.constant 0 : i32
    %dma_start3A_224 = arith.constant 0 : i32
    %dma_start3A_225 = tpu.memref_slice %arg7[%dma_start3A_214, %dma_start3A_223, %dma_start3A_224] : memref<2x200x64xf32, #tpu.memory_space<vmem>> -> memref<1x200x64xf32, #tpu.memory_space<vmem>>
    %dma_start3A_226 = tpu.memref_squeeze %dma_start3A_225 : memref<1x200x64xf32, #tpu.memory_space<vmem>> -> memref<200x64xf32, #tpu.memory_space<vmem>>
    tpu.enqueue_dma source(%dma_start3A_226 : memref<200x64xf32, #tpu.memory_space<vmem>>) target(%dma_start3A_222 : memref<200x64xf32, #tpu.memory_space<hbm>>) target_semaphore(%arg10 : memref<!tpu.dma_semaphore, #tpu.memory_space<semaphore_mem>>)
    %dma_wait3A_227 = arith.constant 1 : i32
    %dma_wait3A_228 = arith.constant 0 : i32
    %dma_wait3A_229 = arith.constant 0 : i32
    %dma_wait3A_230 = tpu.memref_slice %arg6[%dma_wait3A_227, %dma_wait3A_228, %dma_wait3A_229] : memref<2x200x128xf32, #tpu.memory_space<vmem>> -> memref<1x128x128xf32, #tpu.memory_space<vmem>>
    %dma_wait3A_231 = tpu.memref_squeeze %dma_wait3A_230 : memref<1x128x128xf32, #tpu.memory_space<vmem>> -> memref<128x128xf32, #tpu.memory_space<vmem>>
    %dma_wait3A_232 = arith.constant 0 : i32
    %dma_wait3A_233 = tpu.memref_slice %arg5[%dma_wait3A_232] : memref<25600xi32, #tpu.memory_space<vmem>> -> memref<128xi32, #tpu.memory_space<vmem>>
    %dma_wait3A_234 = arith.constant 0 : i32
    %dma_wait3A_235 = arith.constant 0 : i32
    %dma_wait3A_236 = tpu.memref_slice %arg3[%dma_wait3A_234, %dma_wait3A_235] : memref<1000000x128xf32, #tpu.memory_space<hbm>> -> memref<1000000x128xf32, #tpu.memory_space<hbm>>
    tpu.wait_indirect_dma semaphore(%arg9 : memref<!tpu.dma_semaphore, #tpu.memory_space<semaphore_mem>>) src(%dma_wait3A_236 : memref<1000000x128xf32, #tpu.memory_space<hbm>>) dst(%dma_wait3A_231 : memref<128x128xf32, #tpu.memory_space<vmem>>)
    %dma_wait3A_237 = arith.constant 1 : i32
    %dma_wait3A_238 = arith.constant 128 : i32
    %dma_wait3A_239 = arith.constant 0 : i32
    %dma_wait3A_240 = tpu.memref_slice %arg6[%dma_wait3A_237, %dma_wait3A_238, %dma_wait3A_239] : memref<2x200x128xf32, #tpu.memory_space<vmem>> -> memref<1x72x128xf32, #tpu.memory_space<vmem>>
    %dma_wait3A_241 = tpu.memref_squeeze %dma_wait3A_240 : memref<1x72x128xf32, #tpu.memory_space<vmem>> -> memref<72x128xf32, #tpu.memory_space<vmem>>
    %dma_wait3A_242 = arith.constant 0 : i32
    %dma_wait3A_243 = tpu.memref_slice %arg5[%dma_wait3A_242] : memref<25600xi32, #tpu.memory_space<vmem>> -> memref<72xi32, #tpu.memory_space<vmem>>
    %dma_wait3A_244 = arith.constant 0 : i32
    %dma_wait3A_245 = arith.constant 0 : i32
    %dma_wait3A_246 = tpu.memref_slice %arg3[%dma_wait3A_244, %dma_wait3A_245] : memref<1000000x128xf32, #tpu.memory_space<hbm>> -> memref<1000000x128xf32, #tpu.memory_space<hbm>>
    tpu.wait_indirect_dma semaphore(%arg9 : memref<!tpu.dma_semaphore, #tpu.memory_space<semaphore_mem>>) src(%dma_wait3A_246 : memref<1000000x128xf32, #tpu.memory_space<hbm>>) dst(%dma_wait3A_241 : memref<72x128xf32, #tpu.memory_space<vmem>>)
    %dma_wait3A_247 = arith.constant 1 : i32
    %dma_wait3A_248 = arith.constant 0 : i32
    %dma_wait3A_249 = arith.constant 0 : i32
    %dma_wait3A_250 = tpu.memref_slice %arg7[%dma_wait3A_247, %dma_wait3A_248, %dma_wait3A_249] : memref<2x200x64xf32, #tpu.memory_space<vmem>> -> memref<1x200x64xf32, #tpu.memory_space<vmem>>
    %dma_wait3A_251 = tpu.memref_squeeze %dma_wait3A_250 : memref<1x200x64xf32, #tpu.memory_space<vmem>> -> memref<200x64xf32, #tpu.memory_space<vmem>>
    %dma_wait3A_252 = arith.constant 0 : i32
    %dma_wait3A_253 = arith.constant 0 : i32
    %dma_wait3A_254 = tpu.memref_slice %arg4[%dma_wait3A_252, %dma_wait3A_253] : memref<819200x64xf32, #tpu.memory_space<hbm>> -> memref<200x64xf32, #tpu.memory_space<hbm>>
    %dma_wait3A_255 = arith.constant 0 : i32
    %dma_wait3A_256 = arith.constant 0 : i32
    %dma_wait3A_257 = tpu.memref_slice %arg4[%dma_wait3A_255, %dma_wait3A_256] : memref<819200x64xf32, #tpu.memory_space<hbm>> -> memref<200x64xf32, #tpu.memory_space<hbm>>
    %dma_wait3A_258 = arith.constant 0 : i32
    %dma_wait3A_259 = arith.constant 0 : i32
    %dma_wait3A_260 = tpu.memref_slice %arg7[%dma_wait3A_247, %dma_wait3A_258, %dma_wait3A_259] : memref<2x200x64xf32, #tpu.memory_space<vmem>> -> memref<1x200x64xf32, #tpu.memory_space<vmem>>
    %dma_wait3A_261 = tpu.memref_squeeze %dma_wait3A_260 : memref<1x200x64xf32, #tpu.memory_space<vmem>> -> memref<200x64xf32, #tpu.memory_space<vmem>>
    tpu.wait_dma2 semaphore(%arg11 : memref<!tpu.dma_semaphore, #tpu.memory_space<semaphore_mem>>) src(%dma_wait3A_261 : memref<200x64xf32, #tpu.memory_space<vmem>>) dst(%dma_wait3A_257 : memref<200x64xf32, #tpu.memory_space<hbm>>)
    %parallel_loop3A_262 = arith.constant 0 : i32
    %parallel_loop3A_263 = arith.constant 200 : i32
    %parallel_loop3A_264 = arith.constant 1 : i32
    %parallel_loop3A_265 = arith.constant 1 : i32
    %parallel_loop3A_266 = arith.constant 1 : i32
    scf.for %parallel_loop3A_314 = %parallel_loop3A_262 to %parallel_loop3A_263 step %parallel_loop3A_264  : i32 {
      %parallel_loop3A_315 = arith.constant 0 : i32
      %parallel_loop3A_316 = arith.constant 0 : i32
      %parallel_loop3A_317 = tpu.memref_slice %arg6[%parallel_loop3A_265, %parallel_loop3A_315, %parallel_loop3A_316] : memref<2x200x128xf32, #tpu.memory_space<vmem>> -> memref<1x200x128xf32, #tpu.memory_space<vmem>>
      %parallel_loop3A_318 = tpu.memref_squeeze %parallel_loop3A_317 : memref<1x200x128xf32, #tpu.memory_space<vmem>> -> memref<200x128xf32, #tpu.memory_space<vmem>>
      %parallel_loop3A_319 = arith.index_cast %parallel_loop3A_314 : i32 to index
      %parallel_loop3A_320 = arith.constant 0 : index
      %parallel_loop3A_321 = tpu.vector_load %parallel_loop3A_318[%parallel_loop3A_319, %parallel_loop3A_320] {strides = array<i32>} : memref<200x128xf32, #tpu.memory_space<vmem>>, vector<1x16xf32>,
      %parallel_loop3A_322 = vector.shape_cast %parallel_loop3A_321 : vector<1x16xf32> to vector<16xf32>
      %parallel_loop3A_323 = arith.constant 8.000000e+00 : f32
      %parallel_loop3A_324 = vector.broadcast %parallel_loop3A_323 : f32 to vector<16xf32>
      %parallel_loop3A_325 = arith.mulf %parallel_loop3A_322, %parallel_loop3A_324 : vector<16xf32>
      %parallel_loop3A_326 = arith.constant 0 : i32
      %parallel_loop3A_327 = arith.constant 0 : i32
      %parallel_loop3A_328 = tpu.memref_slice %arg7[%parallel_loop3A_266, %parallel_loop3A_326, %parallel_loop3A_327] : memref<2x200x64xf32, #tpu.memory_space<vmem>> -> memref<1x200x64xf32, #tpu.memory_space<vmem>>
      %parallel_loop3A_329 = tpu.memref_squeeze %parallel_loop3A_328 : memref<1x200x64xf32, #tpu.memory_space<vmem>> -> memref<200x64xf32, #tpu.memory_space<vmem>>
      %parallel_loop3A_330 = arith.index_cast %parallel_loop3A_314 : i32 to index
      %parallel_loop3A_331 = arith.constant 0 : index
      %parallel_loop3A_332 = tpu.vector_load %parallel_loop3A_329[%parallel_loop3A_330, %parallel_loop3A_331] {strides = array<i32>} : memref<200x64xf32, #tpu.memory_space<vmem>>, vector<1x16xf32>,
      %parallel_loop3A_333 = vector.shape_cast %parallel_loop3A_332 : vector<1x16xf32> to vector<16xf32>
      %parallel_loop3A_334 = vector.shape_cast %parallel_loop3A_325 : vector<16xf32> to vector<1x16xf32>
      tpu.vector_store %parallel_loop3A_329[%parallel_loop3A_330, %parallel_loop3A_331], %parallel_loop3A_334 {strides = array<i32>} : memref<200x64xf32, #tpu.memory_space<vmem>>, vector<1x16xf32>,
      %parallel_loop3A_335 = arith.constant 0 : i32
      %parallel_loop3A_336 = arith.constant 0 : i32
      %parallel_loop3A_337 = tpu.memref_slice %arg6[%parallel_loop3A_265, %parallel_loop3A_335, %parallel_loop3A_336] : memref<2x200x128xf32, #tpu.memory_space<vmem>> -> memref<1x200x128xf32, #tpu.memory_space<vmem>>
      %parallel_loop3A_338 = tpu.memref_squeeze %parallel_loop3A_337 : memref<1x200x128xf32, #tpu.memory_space<vmem>> -> memref<200x128xf32, #tpu.memory_space<vmem>>
      %parallel_loop3A_339 = arith.index_cast %parallel_loop3A_314 : i32 to index
      %parallel_loop3A_340 = arith.constant 16 : index
      %parallel_loop3A_341 = tpu.vector_load %parallel_loop3A_338[%parallel_loop3A_339, %parallel_loop3A_340] {strides = array<i32>} : memref<200x128xf32, #tpu.memory_space<vmem>>, vector<1x16xf32>,
      %parallel_loop3A_342 = vector.shape_cast %parallel_loop3A_341 : vector<1x16xf32> to vector<16xf32>
      %parallel_loop3A_343 = arith.constant 8.000000e+00 : f32
      %parallel_loop3A_344 = vector.broadcast %parallel_loop3A_343 : f32 to vector<16xf32>
      %parallel_loop3A_345 = arith.mulf %parallel_loop3A_342, %parallel_loop3A_344 : vector<16xf32>
      %parallel_loop3A_346 = arith.constant 0 : i32
      %parallel_loop3A_347 = arith.constant 0 : i32
      %parallel_loop3A_348 = tpu.memref_slice %arg7[%parallel_loop3A_266, %parallel_loop3A_346, %parallel_loop3A_347] : memref<2x200x64xf32, #tpu.memory_space<vmem>> -> memref<1x200x64xf32, #tpu.memory_space<vmem>>
      %parallel_loop3A_349 = tpu.memref_squeeze %parallel_loop3A_348 : memref<1x200x64xf32, #tpu.memory_space<vmem>> -> memref<200x64xf32, #tpu.memory_space<vmem>>
      %parallel_loop3A_350 = arith.index_cast %parallel_loop3A_314 : i32 to index
      %parallel_loop3A_351 = arith.constant 16 : index
      %parallel_loop3A_352 = tpu.vector_load %parallel_loop3A_349[%parallel_loop3A_350, %parallel_loop3A_351] {strides = array<i32>} : memref<200x64xf32, #tpu.memory_space<vmem>>, vector<1x16xf32>,
      %parallel_loop3A_353 = vector.shape_cast %parallel_loop3A_352 : vector<1x16xf32> to vector<16xf32>
      %parallel_loop3A_354 = vector.shape_cast %parallel_loop3A_345 : vector<16xf32> to vector<1x16xf32>
      tpu.vector_store %parallel_loop3A_349[%parallel_loop3A_350, %parallel_loop3A_351], %parallel_loop3A_354 {strides = array<i32>} : memref<200x64xf32, #tpu.memory_space<vmem>>, vector<1x16xf32>,
      %parallel_loop3A_355 = arith.constant 0 : i32
      %parallel_loop3A_356 = arith.constant 0 : i32
      %parallel_loop3A_357 = tpu.memref_slice %arg6[%parallel_loop3A_265, %parallel_loop3A_355, %parallel_loop3A_356] : memref<2x200x128xf32, #tpu.memory_space<vmem>> -> memref<1x200x128xf32, #tpu.memory_space<vmem>>
      %parallel_loop3A_358 = tpu.memref_squeeze %parallel_loop3A_357 : memref<1x200x128xf32, #tpu.memory_space<vmem>> -> memref<200x128xf32, #tpu.memory_space<vmem>>
      %parallel_loop3A_359 = arith.index_cast %parallel_loop3A_314 : i32 to index
      %parallel_loop3A_360 = arith.constant 32 : index
      %parallel_loop3A_361 = tpu.vector_load %parallel_loop3A_358[%parallel_loop3A_359, %parallel_loop3A_360] {strides = array<i32>} : memref<200x128xf32, #tpu.memory_space<vmem>>, vector<1x16xf32>,
      %parallel_loop3A_362 = vector.shape_cast %parallel_loop3A_361 : vector<1x16xf32> to vector<16xf32>
      %parallel_loop3A_363 = arith.constant 8.000000e+00 : f32
      %parallel_loop3A_364 = vector.broadcast %parallel_loop3A_363 : f32 to vector<16xf32>
      %parallel_loop3A_365 = arith.mulf %parallel_loop3A_362, %parallel_loop3A_364 : vector<16xf32>
      %parallel_loop3A_366 = arith.constant 0 : i32
      %parallel_loop3A_367 = arith.constant 0 : i32
      %parallel_loop3A_368 = tpu.memref_slice %arg7[%parallel_loop3A_266, %parallel_loop3A_366, %parallel_loop3A_367] : memref<2x200x64xf32, #tpu.memory_space<vmem>> -> memref<1x200x64xf32, #tpu.memory_space<vmem>>
      %parallel_loop3A_369 = tpu.memref_squeeze %parallel_loop3A_368 : memref<1x200x64xf32, #tpu.memory_space<vmem>> -> memref<200x64xf32, #tpu.memory_space<vmem>>
      %parallel_loop3A_370 = arith.index_cast %parallel_loop3A_314 : i32 to index
      %parallel_loop3A_371 = arith.constant 32 : index
      %parallel_loop3A_372 = tpu.vector_load %parallel_loop3A_369[%parallel_loop3A_370, %parallel_loop3A_371] {strides = array<i32>} : memref<200x64xf32, #tpu.memory_space<vmem>>, vector<1x16xf32>,
      %parallel_loop3A_373 = vector.shape_cast %parallel_loop3A_372 : vector<1x16xf32> to vector<16xf32>
      %parallel_loop3A_374 = vector.shape_cast %parallel_loop3A_365 : vector<16xf32> to vector<1x16xf32>
      tpu.vector_store %parallel_loop3A_369[%parallel_loop3A_370, %parallel_loop3A_371], %parallel_loop3A_374 {strides = array<i32>} : memref<200x64xf32, #tpu.memory_space<vmem>>, vector<1x16xf32>,
      %parallel_loop3A_375 = arith.constant 0 : i32
      %parallel_loop3A_376 = arith.constant 0 : i32
      %parallel_loop3A_377 = tpu.memref_slice %arg6[%parallel_loop3A_265, %parallel_loop3A_375, %parallel_loop3A_376] : memref<2x200x128xf32, #tpu.memory_space<vmem>> -> memref<1x200x128xf32, #tpu.memory_space<vmem>>
      %parallel_loop3A_378 = tpu.memref_squeeze %parallel_loop3A_377 : memref<1x200x128xf32, #tpu.memory_space<vmem>> -> memref<200x128xf32, #tpu.memory_space<vmem>>
      %parallel_loop3A_379 = arith.index_cast %parallel_loop3A_314 : i32 to index
      %parallel_loop3A_380 = arith.constant 48 : index
      %parallel_loop3A_381 = tpu.vector_load %parallel_loop3A_378[%parallel_loop3A_379, %parallel_loop3A_380] {strides = array<i32>} : memref<200x128xf32, #tpu.memory_space<vmem>>, vector<1x16xf32>,
      %parallel_loop3A_382 = vector.shape_cast %parallel_loop3A_381 : vector<1x16xf32> to vector<16xf32>
      %parallel_loop3A_383 = arith.constant 8.000000e+00 : f32
      %parallel_loop3A_384 = vector.broadcast %parallel_loop3A_383 : f32 to vector<16xf32>
      %parallel_loop3A_385 = arith.mulf %parallel_loop3A_382, %parallel_loop3A_384 : vector<16xf32>
      %parallel_loop3A_386 = arith.constant 0 : i32
      %parallel_loop3A_387 = arith.constant 0 : i32
      %parallel_loop3A_388 = tpu.memref_slice %arg7[%parallel_loop3A_266, %parallel_loop3A_386, %parallel_loop3A_387] : memref<2x200x64xf32, #tpu.memory_space<vmem>> -> memref<1x200x64xf32, #tpu.memory_space<vmem>>
      %parallel_loop3A_389 = tpu.memref_squeeze %parallel_loop3A_388 : memref<1x200x64xf32, #tpu.memory_space<vmem>> -> memref<200x64xf32, #tpu.memory_space<vmem>>
      %parallel_loop3A_390 = arith.index_cast %parallel_loop3A_314 : i32 to index
      %parallel_loop3A_391 = arith.constant 48 : index
      %parallel_loop3A_392 = tpu.vector_load %parallel_loop3A_389[%parallel_loop3A_390, %parallel_loop3A_391] {strides = array<i32>} : memref<200x64xf32, #tpu.memory_space<vmem>>, vector<1x16xf32>,
      %parallel_loop3A_393 = vector.shape_cast %parallel_loop3A_392 : vector<1x16xf32> to vector<16xf32>
      %parallel_loop3A_394 = vector.shape_cast %parallel_loop3A_385 : vector<16xf32> to vector<1x16xf32>
      tpu.vector_store %parallel_loop3A_389[%parallel_loop3A_390, %parallel_loop3A_391], %parallel_loop3A_394 {strides = array<i32>} : memref<200x64xf32, #tpu.memory_space<vmem>>, vector<1x16xf32>,
    } {sc.loop_unroll_factor = 4 : i64, sc.parallel_access}
    %add3A_267 = arith.constant 127 : i32
    %add3A_268 = arith.addi %mul3A_2, %add3A_267 : i32
    %mul3A_269 = arith.constant 200 : i32
    %mul3A_270 = arith.muli %add3A_268, %mul3A_269 : i32
    %dma_start3A_271 = arith.constant 1 : i32
    %dma_start3A_272 = arith.constant 0 : i32
    %dma_start3A_273 = arith.constant 0 : i32
    %dma_start3A_274 = tpu.memref_slice %arg7[%dma_start3A_271, %dma_start3A_272, %dma_start3A_273] : memref<2x200x64xf32, #tpu.memory_space<vmem>> -> memref<1x200x64xf32, #tpu.memory_space<vmem>>
    %dma_start3A_275 = tpu.memref_squeeze %dma_start3A_274 : memref<1x200x64xf32, #tpu.memory_space<vmem>> -> memref<200x64xf32, #tpu.memory_space<vmem>>
    %dma_start3A_276 = arith.constant 0 : i32
    %dma_start3A_277 = tpu.memref_slice %arg4[%mul3A_270, %dma_start3A_276] : memref<819200x64xf32, #tpu.memory_space<hbm>> -> memref<200x64xf32, #tpu.memory_space<hbm>>
    %dma_start3A_278 = arith.constant 0 : i32
    %dma_start3A_279 = tpu.memref_slice %arg4[%mul3A_270, %dma_start3A_278] : memref<819200x64xf32, #tpu.memory_space<hbm>> -> memref<200x64xf32, #tpu.memory_space<hbm>>
    %dma_start3A_280 = arith.constant 0 : i32
    %dma_start3A_281 = arith.constant 0 : i32
    %dma_start3A_282 = tpu.memref_slice %arg7[%dma_start3A_271, %dma_start3A_280, %dma_start3A_281] : memref<2x200x64xf32, #tpu.memory_space<vmem>> -> memref<1x200x64xf32, #tpu.memory_space<vmem>>
    %dma_start3A_283 = tpu.memref_squeeze %dma_start3A_282 : memref<1x200x64xf32, #tpu.memory_space<vmem>> -> memref<200x64xf32, #tpu.memory_space<vmem>>
    tpu.enqueue_dma source(%dma_start3A_283 : memref<200x64xf32, #tpu.memory_space<vmem>>) target(%dma_start3A_279 : memref<200x64xf32, #tpu.memory_space<hbm>>) target_semaphore(%arg11 : memref<!tpu.dma_semaphore, #tpu.memory_space<semaphore_mem>>)
    %dma_wait3A_284 = arith.constant 0 : i32
    %dma_wait3A_285 = arith.constant 0 : i32
    %dma_wait3A_286 = arith.constant 0 : i32
    %dma_wait3A_287 = tpu.memref_slice %arg7[%dma_wait3A_284, %dma_wait3A_285, %dma_wait3A_286] : memref<2x200x64xf32, #tpu.memory_space<vmem>> -> memref<1x200x64xf32, #tpu.memory_space<vmem>>
    %dma_wait3A_288 = tpu.memref_squeeze %dma_wait3A_287 : memref<1x200x64xf32, #tpu.memory_space<vmem>> -> memref<200x64xf32, #tpu.memory_space<vmem>>
    %dma_wait3A_289 = arith.constant 0 : i32
    %dma_wait3A_290 = arith.constant 0 : i32
    %dma_wait3A_291 = tpu.memref_slice %arg4[%dma_wait3A_289, %dma_wait3A_290] : memref<819200x64xf32, #tpu.memory_space<hbm>> -> memref<200x64xf32, #tpu.memory_space<hbm>>
    %dma_wait3A_292 = arith.constant 0 : i32
    %dma_wait3A_293 = arith.constant 0 : i32
    %dma_wait3A_294 = tpu.memref_slice %arg4[%dma_wait3A_292, %dma_wait3A_293] : memref<819200x64xf32, #tpu.memory_space<hbm>> -> memref<200x64xf32, #tpu.memory_space<hbm>>
    %dma_wait3A_295 = arith.constant 0 : i32
    %dma_wait3A_296 = arith.constant 0 : i32
    %dma_wait3A_297 = tpu.memref_slice %arg7[%dma_wait3A_284, %dma_wait3A_295, %dma_wait3A_296] : memref<2x200x64xf32, #tpu.memory_space<vmem>> -> memref<1x200x64xf32, #tpu.memory_space<vmem>>
    %dma_wait3A_298 = tpu.memref_squeeze %dma_wait3A_297 : memref<1x200x64xf32, #tpu.memory_space<vmem>> -> memref<200x64xf32, #tpu.memory_space<vmem>>
    tpu.wait_dma2 semaphore(%arg10 : memref<!tpu.dma_semaphore, #tpu.memory_space<semaphore_mem>>) src(%dma_wait3A_298 : memref<200x64xf32, #tpu.memory_space<vmem>>) dst(%dma_wait3A_294 : memref<200x64xf32, #tpu.memory_space<hbm>>)
    %dma_wait3A_299 = arith.constant 1 : i32
    %dma_wait3A_300 = arith.constant 0 : i32
    %dma_wait3A_301 = arith.constant 0 : i32
    %dma_wait3A_302 = tpu.memref_slice %arg7[%dma_wait3A_299, %dma_wait3A_300, %dma_wait3A_301] : memref<2x200x64xf32, #tpu.memory_space<vmem>> -> memref<1x200x64xf32, #tpu.memory_space<vmem>>
    %dma_wait3A_303 = tpu.memref_squeeze %dma_wait3A_302 : memref<1x200x64xf32, #tpu.memory_space<vmem>> -> memref<200x64xf32, #tpu.memory_space<vmem>>
    %dma_wait3A_304 = arith.constant 0 : i32
    %dma_wait3A_305 = arith.constant 0 : i32
    %dma_wait3A_306 = tpu.memref_slice %arg4[%dma_wait3A_304, %dma_wait3A_305] : memref<819200x64xf32, #tpu.memory_space<hbm>> -> memref<200x64xf32, #tpu.memory_space<hbm>>
    %dma_wait3A_307 = arith.constant 0 : i32
    %dma_wait3A_308 = arith.constant 0 : i32
    %dma_wait3A_309 = tpu.memref_slice %arg4[%dma_wait3A_307, %dma_wait3A_308] : memref<819200x64xf32, #tpu.memory_space<hbm>> -> memref<200x64xf32, #tpu.memory_space<hbm>>
    %dma_wait3A_310 = arith.constant 0 : i32
    %dma_wait3A_311 = arith.constant 0 : i32
    %dma_wait3A_312 = tpu.memref_slice %arg7[%dma_wait3A_299, %dma_wait3A_310, %dma_wait3A_311] : memref<2x200x64xf32, #tpu.memory_space<vmem>> -> memref<1x200x64xf32, #tpu.memory_space<vmem>>
    %dma_wait3A_313 = tpu.memref_squeeze %dma_wait3A_312 : memref<1x200x64xf32, #tpu.memory_space<vmem>> -> memref<200x64xf32, #tpu.memory_space<vmem>>
    tpu.wait_dma2 semaphore(%arg11 : memref<!tpu.dma_semaphore, #tpu.memory_space<semaphore_mem>>) src(%dma_wait3A_313 : memref<200x64xf32, #tpu.memory_space<vmem>>) dst(%dma_wait3A_309 : memref<200x64xf32, #tpu.memory_space<hbm>>)
    return
  }
}

</mosaic_0001>

<sc_bundles>
// kernel: kernel.3.cloned.1.call-start
scs
__scs_entry_jumppad:
0x0: {  	(pc) =	sbr.rel $0x88, $3  }
0x1: {  	(tag) =	ssettag $0x0;
	lr =	simm.s32 $0x1  }
0x2: {  	[smem:$0x3F9F] =	sst lr;
	_ =	strace $0xD0000000  }
0x3: {  	_ = 	snop  }
0x4: {  	_ = 	snop  }
0x5: {  	_ = 	snop  }
0x6: {  	_ = 	snop  }
0x7: {  	_ = 	snop  }
__scs_overlays_trampoline_lowered:
0x8: {  	[smem:$0x3FAE] =	sst s0  }
0x9: {  	[smem:$0x3FAF] =	sst s1  }
0xa: {  	[smem:$0x3FB0] =	sst s2  }
0xb: {  	[smem:$0x3FB1] =	sst s3  }
0xc: {  	[smem:$0x3FB2] =	sst s4  }
0xd: {  	[smem:$0x3FB3] =	sst s5  }
0xe: {  	[smem:$0x3FB4] =	sst s6  }
0xf: {  	[smem:$0x3FB5] =	sst s7  }
0x10: {  	[smem:$0x3FB6] =	sst s8  }
0x11: {  	[smem:$0x3FB7] =	sst s9;
	s0 =	simm.s32 @!p0 $0x0  }
0x12: {  	s1 =	sld [smem:$0x3F9D];
	s0 =	simm.s32 @p0 $0x1  }
0x13: {  	[smem:$0x3FB8] =	sst s0;
	s0 =	simm.s32 @!p1 $0x0  }
0x14: {  	s2 =	sld [smem:$0x3F9C];
	s0 =	simm.s32 @p1 $0x1  }
0x15: {  	[smem:$0x3FB9] =	sst s0;
	s0 =	simm.s32 @!p2 $0x0  }
0x16: {  	s3 =	sld [smem:$0x3FDB];
	s0 =	simm.s32 @p2 $0x1  }
0x17: {  	s4 =	simm.s32 $0x1BF5;
	[smem:$0x3FBB] =	sst s0  }
0x18: {  	s0 =	sld [smem:$0x3F9E];
	_ =	swait.ge [sflag:s4], $0x0  }
0x19: {  	s7 =	sld [smem:$0x3F9F]  }
0x1a: {  	s8 =	sadd.s32 $0xFFFFE003, lr  }
0x1b: {  	s9 =	sadd.s32 $0xFFFFFEF7, lr;
	s5 =	simm.s32 $0xFFFFFFFF;
	p2 =	slt.u32 s8, $0xFFFFF086  }
0x1c: {  	p1 =	slt.u32 s9, $0xF7A;
	s5 =	simm.s32 @!p2 $0x0  }
0x1d: {  	s5 =	simm.s32 @p1 $0x1;
	p0 =	seq.s32 s7, s2  }
0x1e: {  	s7 =	smul.u32 @!p0 $0xF7A, s2;
	p2 =	seq.s32 @!p0 s5, $0x0  }
0x1f: {  	s9 =	smul.u32 $0xF7A, s1;
	s8 =	simm.s32 @!p0 $0x1BF5;
	p2 =	por !p2, p0  }
0x20: {  	[sflag:s8] =	ssyncset.s32 @!p0 $0xFFFFF086;
	s6 =	sadd.s32 @!p0 s3, s7;
	s7 =	simm.s32 @!p0 $0x108  }
0x21: {  	s3 =	sadd.s32 s3, s9;
	s6 =	sadd.s32 @!p0 $0x88, s6;
	s7 =	simm.s32 @p2 $0x1082  }
0x22: {  	[simem:s7], [sflag:s8] =	dma.local @!p0 [hbm:s6], $0xF7A  }
0x23: {  	s9 =	sor.u32 $0xD0000000, s2;
	s6 =	simm.s32 $0x108;
	_ =	swait.ge @!p0 [sflag:s8], $0x0  }
0x24: {  	s3 =	sadd.s32 $0x88, s3;
	s6 =	simm.s32 @!p1 $0x1082;
	[sflag:s4] =	ssyncset.s32 $0xFFFFF086  }
0x25: {  	[simem:s6], [sflag:s4] =	dma.local [hbm:s3], $0xF7A  }
0x26: {  	[smem:$0x3F9F] =	sst s1;
	(tag) =	ssettag s2;
	_ =	strace s9  }
0x27: {  	s1 =	sld [smem:$0x3FAF]  }
0x28: {  	s2 =	sld [smem:$0x3FB0]  }
0x29: {  	s4 =	sld [smem:$0x3FB2]  }
0x2a: {  	p0 =	seq.s32 s5, $0x0;
	s5 =	sld [smem:$0x3FB3]  }
0x2b: {  	s6 =	sld [smem:$0x3FB4]  }
0x2c: {  	s7 =	sld [smem:$0x3FB5]  }
0x2d: {  	s3 =	simm.s32 $0x108;
	s8 =	sld [smem:$0x3FB6]  }
0x2e: {  	s3 =	simm.s32 @!p0 $0x1082;
	s9 =	sld [smem:$0x3FB7]  }
0x2f: {  	lr =	sadd.s32 s0, s3;
	s0 =	sld [smem:$0x3FAE]  }
0x30: {  	s3 =	sld [smem:$0x3FB1]  }
0x31: {  	[smem:$0x3FBA] =	sst s10  }
0x32: {  	s10 =	sld [smem:$0x3FB8];
	_ =	sdelay $0x3  }
0x33: {  	p0 =	seq.s32 s10, $0x1;
	s10 =	sld [smem:$0x3FBA];
	_ =	sdelay $0x3  }
0x34: {  	[smem:$0x3FBA] =	sst s10  }
0x35: {  	s10 =	sld [smem:$0x3FB9];
	_ =	sdelay $0x3  }
0x36: {  	p1 =	seq.s32 s10, $0x1;
	s10 =	sld [smem:$0x3FBA];
	_ =	sdelay $0x3  }
0x37: {  	[smem:$0x3FBA] =	sst s10  }
0x38: {  	s10 =	sld [smem:$0x3FBB]  }
0x39: {  	_ = 	snop;
	(pc) =	sbr.ind lr, $3  }
0x3a: {  	_ = 	snop  }
0x3b: {  	_ = 	snop  }
0x3c: {  	p2 =	seq.s32 s10, $0x1;
	s10 =	sld [smem:$0x3FBA]  }
0x3d: {  	_ =	shalt  }
0x3e: {  	_ =	shalt  }
0x3f: {  	_ =	shalt  }
0x40: {  	_ =	shalt  }
0x41: {  	_ =	shalt  }
0x42: {  	_ =	shalt  }
0x43: {  	_ =	shalt  }
0x44: {  	_ =	shalt  }
0x45: {  	_ =	shalt  }
0x46: {  	_ =	shalt  }
0x47: {  	_ =	shalt  }
0x48: {  	_ =	shalt  }
0x49: {  	_ =	shalt  }
0x4a: {  	_ =	shalt  }
0x4b: {  	_ =	shalt  }
0x4c: {  	_ =	shalt  }
0x4d: {  	_ =	shalt  }
0x4e: {  	_ =	shalt  }
0x4f: {  	_ =	shalt  }
0x50: {  	_ =	shalt  }
0x51: {  	_ =	shalt  }
0x52: {  	_ =	shalt  }
0x53: {  	_ =	shalt  }
0x54: {  	_ =	shalt  }
0x55: {  	_ =	shalt  }
0x56: {  	_ =	shalt  }
0x57: {  	_ =	shalt  }
0x58: {  	_ =	shalt  }
0x59: {  	_ =	shalt  }
0x5a: {  	_ =	shalt  }
0x5b: {  	_ =	shalt  }
0x5c: {  	_ =	shalt  }
0x5d: {  	_ =	shalt  }
0x5e: {  	_ =	shalt  }
0x5f: {  	_ =	shalt  }
0x60: {  	_ =	shalt  }
0x61: {  	_ =	shalt  }
0x62: {  	_ =	shalt  }
0x63: {  	_ =	shalt  }
0x64: {  	_ =	shalt  }
0x65: {  	_ =	shalt  }
0x66: {  	_ =	shalt  }
0x67: {  	_ =	shalt  }
0x68: {  	_ =	shalt  }
0x69: {  	_ =	shalt  }
0x6a: {  	_ =	shalt  }
0x6b: {  	_ =	shalt  }
0x6c: {  	_ =	shalt  }
0x6d: {  	_ =	shalt  }
0x6e: {  	_ =	shalt  }
0x6f: {  	_ =	shalt  }
0x70: {  	_ =	shalt  }
0x71: {  	_ =	shalt  }
0x72: {  	_ =	shalt  }
0x73: {  	_ =	shalt  }
0x74: {  	_ =	shalt  }
0x75: {  	_ =	shalt  }
0x76: {  	_ =	shalt  }
0x77: {  	_ =	shalt  }
0x78: {  	_ =	shalt  }
0x79: {  	_ =	shalt  }
0x7a: {  	_ =	shalt  }
0x7b: {  	_ =	shalt  }
0x7c: {  	_ =	shalt  }
0x7d: {  	_ =	shalt  }
0x7e: {  	_ =	shalt  }
0x7f: {  	_ =	shalt  }
0x80: {  	_ =	shalt  }
0x81: {  	_ =	shalt  }
0x82: {  	_ =	shalt  }
0x83: {  	_ =	shalt  }
0x84: {  	_ =	shalt  }
0x85: {  	_ =	shalt  }
0x86: {  	_ =	shalt  }
0x87: {  	_ =	shalt  }
.Lfunc_end0:
.L_simem_size_0:
called_computation.1_lowered:
.L_overlay_start_0:
0x88: {  	s2 =	sld [smem:$0x3FD9]  }
0x89: {  	s3 =	sld [smem:$0x3FFE];
	_ =	sdelay $0x1  }
0x8a: {  	s1 =	srdreg.scid  }
0x8b: {  	s0 =	sand.u32 $0x1, s1  }
0x8c: {  	s17 =	sshll.u32 s0, $0xA;
	s2 =	sadd.s32 s3, s2  }
0x8d: {  	s2 =	sadd.s32 s2, s17  }
0x8e: {  	[smem:$0x3FC6] =	sst s2  }
0x8f: {  	_ = 	snop  }
0x90: {  	s2 =	sld [smem:$0x3FD0];
	(tm) =	ssettm $0x1  }
0x91: {  	s18 =	sld [smem:$0x3FFB];
	_ =	sdelay $0x3  }
0x92: {  	_ =	strace s18  }
0x93: {  	s3 =	sld [smem:$0x3FFC];
	_ =	sdelay $0x3  }
0x94: {  	_ =	strace s3  }
0x95: {  	s3 =	sld [smem:$0x3FFD];
	_ =	sdelay $0x3  }
0x96: {  	_ =	strace s3  }
0x97: {  	_ =	strace $0x8FFFFFFF  }
0x98: {  	s19 =	sld [smem:$0x3FDB];
	_ =	sdelay $0x1  }
0x99: {  	s4 =	simm.s32 $_scs_section_size  }
0x9a: {  	s5 =	simm.s32 $_size__tile_overlayer_lowered;
	s6 =	simm.s32 $_tile_overlayer_lowered  }
0x9b: {  	s22 =	simm.s32 $0x1BFF;
	s21 =	sshll.u32 s6, $0x1;
	s3 =	sadd.s32 s4, s19  }
0x9c: {  	s7 =	simm.s32 $0x0;
	s20 =	sshll.u32 s5, $0x1;
	s5 =	sadd.s32 s21, s3  }
0x9d: {  	[timem:s7], [sflag:s22] =	dma.local [hbm:s5], s20  }
0x9e: {  	_ =	swait.ge [sflag:s22], s20  }
0x9f: {  	s4 =	ssub.s32 $0x0, s20;
	[sflag:s22] =	ssyncset.done $0x0  }
0xa0: {  	[sflag:s22] =	ssyncadd.s32 s4;
	_ =	sdelay $0x1  }
0xa1: {  	s23 =	simm.s32 $0x1B8B  }
0xa2: {  	_ =	swait.ge [sflag:s23], $0x1  }
0xa3: {  	[sflag:s23] =	ssyncset.done $0x0  }
0xa4: {  	s25 =	simm.s32 $0x1B8E;
	s24 =	sld [smem:$0x3FFE];
	[sflag:s23] =	ssyncadd.s32 $0xFFFFFFFF  }
0xa5: {  	s26 =	simm.s32 $execute0_lowered;
	[smem:$0x3FD2] =	sst s25  }
0xa6: {  	s5 =	sshll.u32 s26, $0x1;
	_ =	strace $0x80000046;
	[dreg:$0x1] =	wrdreg $0xFFFFFFFF  }
0xa7: {  	s28 =	simm.s32 $_size_execute0_lowered;
	s3 =	sadd.s32 s3, s5;
	[dreg:$0x0] =	wrdreg $0x0  }
0xa8: {  	s5 =	sshll.u32 s28, $0x1;
	[dreg:$0x2] =	wrdreg s3  }
0xa9: {  	[dreg:$0x3] =	wrdreg s5  }
0xaa: {  	[dreg:$0x4] =	wrdreg $0xC0  }
0xab: {  	_ =	task [dreg:s7], $0x5FFFF  }
0xac: {  	[dreg:$0x1] =	wrdreg $0xFFFFFFFF  }
0xad: {  	[dreg:$0x0] =	wrdreg $0x60  }
0xae: {  	[dreg:$0x2] =	wrdreg s2  }
0xaf: {  	[dreg:$0x3] =	wrdreg s24  }
0xb0: {  	[dreg:$0x4] =	wrdreg $0x9  }
0xb1: {  	_ =	task.clear_ibuf [dreg:s7], $0x5FFFF;
	_ =	strace $0x90000046  }
0xb2: {  	s29 =	simm.s32 $0x9;
	_ =	strace $0x80000048  }
0xb3: {  	_ =	swait.ge [sflag:s29], $0x1  }
0xb4: {  	[sflag:s29] =	ssyncadd.s32 $0xFFFFFFFF  }
0xb5: {  	_ =	strace $0x90000048  }
0xb6: {  	_ =	sfence  }
0xb7: {  	s30 =	sld [smem:$0x0];
	_ =	sdelay $0x2  }
0xb8: {  	s31 =	sshll.u32 s1, $0xD;
	s1 =	sshrl.u32 s1, $0x2  }
0xb9: {  	s3 =	sand.u32 $0x4000, s31;
	s1 =	sadd.s32 s1, s30  }
0xba: {  	s0 =	sor.u32 s3, s0;
	s1 =	sshll.u32 s1, $0x11  }
0xbb: {  	s0 =	sor.u32 s1, s0  }
0xbc: {  	s0 =	sadd.s32 $0x8F2B, s0  }
0xbd: {  	[sflag:s0] =	ssyncadd.remote.s32 $0x1  }
0xbe: {  	_ =	sfence.sel $0xFFFF  }
0xbf: {  	[dreg:$0x0] =	wrdreg $0xFFFFFFFF;
	(pc) =	sbr.abs _section_cstart, $3  }
0xc0: {  	[dreg:$0x1] =	wrdreg $0xFFFFFFFF  }
0xc1: {  	_ =	task.clear_ibuf [dreg:s7], $0x2FFFF;
	_ =	strace $0x9FFFFFFF  }
0xc2: {  	(tm) =	ssettm $0x7FFFFFFF  }
0xc3: {  	_ =	shalt  }
tec
execute0_lowered:
.L_overlay_start_1:
0x0: {  	(tag) =	ssettag $0x1  }
0x1: {  	s0 =	rddreg [dreg:$0x0]  }
0x2: {  	s1 =	rddreg [dreg:$0x1]  }
0x3: {  	s3 =	srdreg.scid;
	s4 =	stileid.u32  }
0x4: {  	s2 =	simm.s32 $0x0;
	s13 =	simm.s32 $0x5;
	s14 =	simm.s32 $0x80  }
0x5: {  	s15 =	simm.s32 $0x6400;
	s16 =	simm.s32 $0x48;
	s17 =	simm.s32 $0xA400  }
0x6: {  	s19 =	simm.s32 $0xC800;
	s21 =	simm.s32 $0x10800;
	s22 =	simm.s32 $0x1  }
0x7: {  	s23 =	simm.s32 $0x12C00;
	s3 =	sand.u32 $0x1, s3;
	s4 =	sshll.u32 s4, $0x1  }
0x8: {  	s28 =	simm.s32 $0x19000;
	[smem:$0x7FF] =	sst s2;
	s5 =	sor.u32 s3, s4  }
0x9: {  	s31 =	simm.s32 $0x3;
	_ =	strace $0x80000047;
	s7 =	smul.u32 $0x64000, s5  }
0xa: {  	s6 =	ssub.s32 $0x2, s3;
	s3 =	sadd.s32 $0xF42E00, s1;
	s9 =	smul.u32 $0x320000, s5  }
0xb: {  	s4 =	sadd.s32 $0xA00, s1;
	s8 =	sshrl.u32 s6, $0x1;
	s26 =	smul.u32 $0xC80, s5  }
0xc: {  	s1 =	simm.s32 $0x0;
	s5 =	sshll.u32 s5, $0x7;
	s25 =	ssub.s32 s6, s8  }
0xd: {  	s6 =	sadd.s32 s4, s7;
	s29 =	sshrl.u32 s9, $0x3;
	s0 =	sadd.s32 s0, s26  }
0xe: {  	s9 =	sor.u32 $0x1, s5;
	s12 =	smax.u32 s25, $0x1;
	s26 =	simm.s32 $0x2  }
0xf: {  	[dreg:$0x3] =	wrdreg s0;
	s8 =	sadd.s32 $0xC80, s6;
	s30 =	sadd.s32 s4, s29  }
0x10: {  	s0 =	simm.s32 $0x4;
	s10 =	sadd.s32 $0x62700, s30;
	s11 =	sadd.s32 $0x63380, s30  }
.LBB2_1:
0x11: {  	s7 =	rddreg [dreg:$0x3]  }
0x12: {  	[tilespmem:s2], [sflag:$0x5] =	stream.linear.gather [hbm4b:s7+s2], $0x6400, $0x38;
	[tilespmem:$0x1F400] =	vst v63  }
0x13: {  	_ =	swait.ge [sflag:s13], $0x6400  }
0x14: {  	[sflag:s13] =	ssyncset.done $0x0  }
0x15: {  	[sflag:s13] =	ssyncadd.s32 $0xFFFF9C00  }
0x16: {  	[tilespmem:s15], [sflag:$0x1] =	stream.indirect.gather [hbm4b:s3+s14], $0x80, s2, s14, $0xb8;
	[tilespmem:$0x1F400] =	vst v63  }
0x17: {  	_ = 	snop  }
0x18: {  	[tilespmem:s17], [sflag:$0x1] =	stream.indirect.gather [hbm4b:s3+s16], $0x80, s14, s16, $0xb8;
	[tilespmem:$0x1F400] =	vst v63  }
0x19: {  	s25 =	simm.s32 $0xC8  }
0x1a: {  	[tilespmem:s19], [sflag:$0x2] =	stream.indirect.gather [hbm4b:s3+s14], $0x80, s25, s14, $0xb8;
	[tilespmem:$0x1F400] =	vst v63  }
0x1b: {  	s30 =	simm.s32 $0x148  }
0x1c: {  	[tilespmem:s21], [sflag:$0x2] =	stream.indirect.gather [hbm4b:s3+s16], $0x80, s30, s16, $0xb8;
	[tilespmem:$0x1F400] =	vst v63  }
0x1d: {  	_ =	swait.ge [sflag:s22], $0x4000  }
0x1e: {  	[sflag:s22] =	ssyncset.done $0x0  }
0x1f: {  	[sflag:s22] =	ssyncadd.s32 $0xFFFFC000  }
0x20: {  	_ =	swait.ge [sflag:s22], $0x2400  }
0x21: {  	[sflag:s22] =	ssyncset.done $0x0  }
0x22: {  	s30 =	simm.s32 $0x6500;
	[sflag:s22] =	ssyncadd.s32 $0xFFFFDC00  }
0x23: {  	v0 =	vld [tilespmem:s30+$0x80];
	_ =	sdelay $0x3  }
0x24: {  	v1 =	vld [tilespmem:s30+$0xFFFFFF00]  }
0x25: {  	v2 =	vld [tilespmem:s30+$0xFFFFFF80];
	v0 =	vmul.f32 $8.000000000e+00, v0  }
0x26: {  	s18 =	simm.s32 $0x12D00;
	v3 =	vld [tilespmem:s30+$0x0]  }
0x27: {  	[tilespmem:s18+$0x80] =	vst v0  }
0x28: {  	v0 =	vld [tilespmem:s30+$0x90]  }
0x29: {  	v1 =	vmul.f32 $8.000000000e+00, v1  }
0x2a: {  	v2 =	vmul.f32 $8.000000000e+00, v2  }
0x2b: {  	v3 =	vmul.f32 $8.000000000e+00, v3;
	[tilespmem:s18+$0xFFFFFF00] =	vst v1  }
0x2c: {  	[tilespmem:s18+$0xFFFFFF80] =	vst v2;
	v1 =	vld [tilespmem:s30+$0xFFFFFF10]  }
0x2d: {  	[tilespmem:s18+$0x0] =	vst v3;
	v2 =	vld [tilespmem:s30+$0xFFFFFF90];
	v0 =	vmul.f32 $8.000000000e+00, v0  }
0x2e: {  	s20 =	simm.s32 $0x6700;
	v3 =	vld [tilespmem:s30+$0x10]  }
0x2f: {  	[tilespmem:s18+$0x90] =	vst v0;
	v0 =	vld [tilespmem:s20+$0x80]  }
0x30: {  	v4 =	vld [tilespmem:s30+$0xA0]  }
0x31: {  	v5 =	vld [tilespmem:s20+$0xFFFFFF80];
	v1 =	vmul.f32 $8.000000000e+00, v1  }
0x32: {  	v6 =	vld [tilespmem:s20+$0x0];
	v2 =	vmul.f32 $8.000000000e+00, v2  }
0x33: {  	v3 =	vmul.f32 $8.000000000e+00, v3;
	[tilespmem:s18+$0xFFFFFF10] =	vst v1;
	v1 =	vld [tilespmem:s20+$0xFFFFFF00]  }
0x34: {  	[tilespmem:s18+$0xFFFFFF90] =	vst v2;
	v2 =	vld [tilespmem:s30+$0xFFFFFF20];
	v0 =	vmul.f32 $8.000000000e+00, v0  }
0x35: {  	s24 =	simm.s32 $0x12F00;
	[tilespmem:s18+$0x10] =	vst v3;
	v7 =	vld [tilespmem:s30+$0xFFFFFFA0];
	v3 =	vmul.f32 $8.000000000e+00, v4  }
0x36: {  	v4 =	vmul.f32 $8.000000000e+00, v5;
	[tilespmem:s24+$0x80] =	vst v0;
	v0 =	vld [tilespmem:s30+$0x20]  }
0x37: {  	v5 =	vmul.f32 $8.000000000e+00, v6;
	v6 =	vld [tilespmem:s20+$0x90];
	[tilespmem:s18+$0xA0] =	vst v3  }
0x38: {  	v1 =	vmul.f32 $8.000000000e+00, v1;
	[tilespmem:s24+$0xFFFFFF80] =	vst v4;
	v8 =	vld [tilespmem:s30+$0xB0]  }
0x39: {  	v2 =	vmul.f32 $8.000000000e+00, v2;
	[tilespmem:s24+$0x0] =	vst v5;
	v9 =	vld [tilespmem:s20+$0xFFFFFF90]  }
0x3a: {  	[tilespmem:s24+$0xFFFFFF00] =	vst v1;
	v5 =	vmul.f32 $8.000000000e+00, v7;
	v3 =	vld [tilespmem:s20+$0x10]  }
0x3b: {  	v4 =	vld [tilespmem:s20+$0xFFFFFF10];
	[tilespmem:s18+$0xFFFFFF20] =	vst v2;
	v2 =	vmul.f32 $8.000000000e+00, v0  }
0x3c: {  	v1 =	vld [tilespmem:s30+$0xFFFFFF30];
	[tilespmem:s18+$0xFFFFFFA0] =	vst v5;
	v7 =	vmul.f32 $8.000000000e+00, v6  }
0x3d: {  	v0 =	vld [tilespmem:s30+$0xFFFFFFB0];
	[tilespmem:s18+$0x20] =	vst v2;
	v5 =	vmul.f32 $8.000000000e+00, v8  }
0x3e: {  	s29 =	simm.s32 $0x6900;
	s25 =	simm.s32 $0x4;
	v6 =	vmul.f32 $8.000000000e+00, v9;
	[tilespmem:s24+$0x90] =	vst v7;
	v2 =	vld [tilespmem:s30+$0x30]  }
.LBB2_2:
0x3f: {  	v7 =	vld [tilespmem:s29+$0x80];
	v3 =	vmul.f32 $8.000000000e+00, v3;
	[tilespmem:s18+$0xB0] =	vst v5  }
0x40: {  	s25 =	sadd.s32 $0x4, s25;
	v4 =	vmul.f32 $8.000000000e+00, v4;
	[tilespmem:s24+$0xFFFFFF90] =	vst v6;
	v5 =	vld [tilespmem:s20+$0xA0]  }
0x41: {  	p0 =	slt.u32 s25, $0xC4;
	v6 =	vld [tilespmem:s29+$0xFFFFFF80];
	[tilespmem:s24+$0x10] =	vst v3;
	v1 =	vmul.f32 $8.000000000e+00, v1  }
0x42: {  	v3 =	vld [tilespmem:s29+$0x0];
	[tilespmem:s24+$0xFFFFFF10] =	vst v4;
	v0 =	vmul.f32 $8.000000000e+00, v0  }
0x43: {  	v4 =	vld [tilespmem:s29+$0xFFFFFF00];
	[tilespmem:s18+$0xFFFFFF30] =	vst v1;
	v1 =	vmul.f32 $8.000000000e+00, v2  }
0x44: {  	v2 =	vmul.f32 $8.000000000e+00, v7;
	v7 =	vld [tilespmem:s20+$0xFFFFFF20];
	[tilespmem:s18+$0xFFFFFFB0] =	vst v0  }
0x45: {  	v0 =	vld [tilespmem:s20+$0xFFFFFFA0];
	v5 =	vmul.f32 $8.000000000e+00, v5;
	[tilespmem:s18+$0x30] =	vst v1;
	s18 =	smov.u32 s24;
	s24 =	sadd.s32 $0x200, s24  }
0x46: {  	v1 =	vmul.f32 $8.000000000e+00, v6;
	[tilespmem:s24+$0x80] =	vst v2;
	v2 =	vld [tilespmem:s20+$0x20]  }
0x47: {  	v3 =	vmul.f32 $8.000000000e+00, v3;
	v6 =	vld [tilespmem:s29+$0x90];
	[tilespmem:s18+$0xA0] =	vst v5  }
0x48: {  	v4 =	vmul.f32 $8.000000000e+00, v4;
	[tilespmem:s24+$0xFFFFFF80] =	vst v1;
	v5 =	vld [tilespmem:s20+$0xB0]  }
0x49: {  	v8 =	vld [tilespmem:s29+$0xFFFFFF90];
	[tilespmem:s24+$0x0] =	vst v3;
	v1 =	vmul.f32 $8.000000000e+00, v7  }
.Ltmp0:
0x4a: {  	[tilespmem:s24+$0xFFFFFF00] =	vst v4;
	v3 =	vld [tilespmem:s29+$0x10];
	v0 =	vmul.f32 $8.000000000e+00, v0;
	(pc) =	sbr.rel @p0 .LBB2_2-.Ltmp0, $4  }
0x4b: {  	v4 =	vld [tilespmem:s29+$0xFFFFFF10];
	[tilespmem:s18+$0xFFFFFF20] =	vst v1;
	v2 =	vmul.f32 $8.000000000e+00, v2  }
0x4c: {  	v7 =	vmul.f32 $8.000000000e+00, v6;
	v1 =	vld [tilespmem:s20+$0xFFFFFF30];
	[tilespmem:s18+$0xFFFFFFA0] =	vst v0  }
0x4d: {  	v0 =	vld [tilespmem:s20+$0xFFFFFFB0];
	[tilespmem:s18+$0x20] =	vst v2;
	v5 =	vmul.f32 $8.000000000e+00, v5  }
0x4e: {  	v6 =	vmul.f32 $8.000000000e+00, v8;
	[tilespmem:s24+$0x90] =	vst v7;
	v2 =	vld [tilespmem:s20+$0x30];
	s20 =	smov.u32 s29;
	s29 =	sadd.s32 $0x200, s29  }
0x4f: {  	_ = 	snop  }
0x50: {  	v4 =	vmul.f32 $8.000000000e+00, v4;
	_ =	sdelay $0x1  }
0x51: {  	v3 =	vmul.f32 $8.000000000e+00, v3;
	v7 =	vld [tilespmem:s20+$0xA0];
	[tilespmem:s24+$0xFFFFFF10] =	vst v4  }
0x52: {  	[tilespmem:s24+$0xFFFFFF90] =	vst v6;
	v4 =	vld [tilespmem:s20+$0xFFFFFF20]  }
0x53: {  	[tilespmem:s24+$0x10] =	vst v3;
	v3 =	vld [tilespmem:s20+$0xFFFFFFA0]  }
0x54: {  	v6 =	vld [tilespmem:s20+$0x20];
	_ =	sdelay $0x1  }
0x55: {  	v7 =	vmul.f32 $8.000000000e+00, v7  }
0x56: {  	v4 =	vmul.f32 $8.000000000e+00, v4  }
0x57: {  	[tilespmem:s24+$0xA0] =	vst v7;
	v3 =	vmul.f32 $8.000000000e+00, v3  }
0x58: {  	v7 =	vld [tilespmem:s20+$0xB0];
	[tilespmem:s24+$0xFFFFFF20] =	vst v4;
	v4 =	vmul.f32 $8.000000000e+00, v6  }
0x59: {  	[tilespmem:s24+$0xFFFFFFA0] =	vst v3;
	v6 =	vld [tilespmem:s20+$0xFFFFFF30]  }
0x5a: {  	v1 =	vmul.f32 $8.000000000e+00, v1;
	v3 =	vld [tilespmem:s20+$0xFFFFFFB0];
	[tilespmem:s24+$0x20] =	vst v4  }
0x5b: {  	[tilespmem:s18+$0xB0] =	vst v5;
	v0 =	vmul.f32 $8.000000000e+00, v0;
	v4 =	vld [tilespmem:s20+$0x30]  }
0x5c: {  	[tilespmem:s18+$0xFFFFFF30] =	vst v1;
	v1 =	vmul.f32 $8.000000000e+00, v2  }
0x5d: {  	[tilespmem:s18+$0xFFFFFFB0] =	vst v0;
	v0 =	vmul.f32 $8.000000000e+00, v7  }
0x5e: {  	[tilespmem:s18+$0x30] =	vst v1;
	v1 =	vmul.f32 $8.000000000e+00, v6  }
0x5f: {  	[tilespmem:s24+$0xB0] =	vst v0;
	v0 =	vmul.f32 $8.000000000e+00, v3  }
0x60: {  	[tilespmem:s24+$0xFFFFFF30] =	vst v1;
	v1 =	vmul.f32 $8.000000000e+00, v4  }
0x61: {  	[tilespmem:s24+$0xFFFFFFB0] =	vst v0  }
0x62: {  	s7 =	simm.s32 $0x0;
	[tilespmem:s24+$0x30] =	vst v1  }
0x63: {  	[hbm4b:s6+s7] =	stream.linear.scatter [tilespmem:s23], [sflag:$0x3], $0x6400, $0x38;
	[tilespmem:$0x1F400] =	vst v63  }
0x64: {  	s29 =	simm.s32 $0x190  }
0x65: {  	[tilespmem:s15], [sflag:$0x1] =	stream.indirect.gather [hbm4b:s3+s14], $0x80, s29, s14, $0xb8;
	[tilespmem:$0x1F400] =	vst v63  }
0x66: {  	s30 =	simm.s32 $0x210  }
0x67: {  	[tilespmem:s17], [sflag:$0x1] =	stream.indirect.gather [hbm4b:s3+s16], $0x80, s30, s16, $0xb8;
	[tilespmem:$0x1F400] =	vst v63  }
0x68: {  	_ =	swait.ge [sflag:s26], $0x4000  }
0x69: {  	[sflag:s26] =	ssyncset.done $0x0  }
0x6a: {  	[sflag:s26] =	ssyncadd.s32 $0xFFFFC000  }
0x6b: {  	_ =	swait.ge [sflag:s26], $0x2400  }
0x6c: {  	[sflag:s26] =	ssyncset.done $0x0  }
0x6d: {  	s18 =	simm.s32 $0x0;
	[sflag:s26] =	ssyncadd.s32 $0xFFFFDC00  }
0x6e: {  	v0 =	vld [tilespmem:s18+$0xC9B0]  }
0x6f: {  	v1 =	vld [tilespmem:s18+$0xC800]  }
0x70: {  	v2 =	vld [tilespmem:s18+$0xC810]  }
0x71: {  	v3 =	vld [tilespmem:s18+$0xC820]  }
0x72: {  	v7 =	vld [tilespmem:s18+$0xC8A0]  }
0x73: {  	v4 =	vld [tilespmem:s18+$0xC830]  }
0x74: {  	v0 =	vmul.f32 $8.000000000e+00, v0  }
0x75: {  	v5 =	vld [tilespmem:s18+$0xC880];
	v1 =	vmul.f32 $8.000000000e+00, v1  }
0x76: {  	v6 =	vld [tilespmem:s18+$0xC890];
	v2 =	vmul.f32 $8.000000000e+00, v2;
	[tilespmem:s18+$0x191B0] =	vst v0  }
0x77: {  	v8 =	vld [tilespmem:s18+$0xC8B0];
	v7 =	vmul.f32 $8.000000000e+00, v7;
	[tilespmem:s18+$0x19000] =	vst v1  }
0x78: {  	v0 =	vmul.f32 $8.000000000e+00, v3;
	[tilespmem:s18+$0x19010] =	vst v2;
	v1 =	vmul.f32 $8.000000000e+00, v4;
	v4 =	vld [tilespmem:s18+$0xC900]  }
0x79: {  	v3 =	vld [tilespmem:s18+$0xC910];
	[tilespmem:s18+$0x190A0] =	vst v7  }
0x7a: {  	v2 =	vmul.f32 $8.000000000e+00, v5;
	[tilespmem:s18+$0x19020] =	vst v0;
	v0 =	vld [tilespmem:s18+$0xC920]  }
0x7b: {  	v5 =	vmul.f32 $8.000000000e+00, v6;
	[tilespmem:s18+$0x19030] =	vst v1;
	v1 =	vld [tilespmem:s18+$0xC930]  }
0x7c: {  	v6 =	vmul.f32 $8.000000000e+00, v8;
	[tilespmem:s18+$0x19080] =	vst v2;
	v2 =	vld [tilespmem:s18+$0xC980]  }
0x7d: {  	s20 =	simm.s32 $0x0;
	s24 =	simm.s32 $0x800;
	[tilespmem:s18+$0x19090] =	vst v5;
	v5 =	vmul.f32 $8.000000000e+00, v4;
	v4 =	vld [tilespmem:s18+$0xC990]  }
.LBB2_4:
0x7e: {  	s7 =	sshra.s32 s24, $0x2;
	s20 =	sadd.s32 $0x4, s20;
	[tilespmem:s18+$0x190B0] =	vst v6;
	v3 =	vmul.f32 $8.000000000e+00, v3;
	v6 =	vld [tilespmem:s18+$0xC9A0]  }
0x7f: {  	v7 =	vld [tilespmem:s7+$0xC9B0];
	p0 =	slt.u32 s20, $0xC4;
	[tilespmem:s18+$0x19100] =	vst v5;
	v0 =	vmul.f32 $8.000000000e+00, v0  }
0x80: {  	v5 =	vld [tilespmem:s7+$0xC800];
	[tilespmem:s18+$0x19110] =	vst v3;
	v1 =	vmul.f32 $8.000000000e+00, v1  }
0x81: {  	v3 =	vld [tilespmem:s7+$0xC810];
	[tilespmem:s18+$0x19120] =	vst v0;
	v0 =	vmul.f32 $8.000000000e+00, v2  }
0x82: {  	v2 =	vld [tilespmem:s7+$0xC820];
	[tilespmem:s18+$0x19130] =	vst v1;
	v1 =	vmul.f32 $8.000000000e+00, v4  }
0x83: {  	v4 =	vld [tilespmem:s7+$0xC830];
	[tilespmem:s18+$0x19180] =	vst v0;
	v0 =	vmul.f32 $8.000000000e+00, v6  }
0x84: {  	v6 =	vld [tilespmem:s7+$0xC880];
	v7 =	vmul.f32 $8.000000000e+00, v7;
	[tilespmem:s18+$0x19190] =	vst v1  }
0x85: {  	v1 =	vmul.f32 $8.000000000e+00, v5;
	v5 =	vld [tilespmem:s7+$0xC890];
	[tilespmem:s18+$0x191A0] =	vst v0;
	s18 =	smov.u32 s7  }
0x86: {  	v0 =	vmul.f32 $8.000000000e+00, v3;
	v8 =	vld [tilespmem:s18+$0xC8A0];
	[tilespmem:s18+$0x191B0] =	vst v7  }
0x87: {  	[tilespmem:s18+$0x19000] =	vst v1;
	v1 =	vmul.f32 $8.000000000e+00, v2;
	v2 =	vld [tilespmem:s18+$0xC8B0]  }
0x88: {  	[tilespmem:s18+$0x19010] =	vst v0;
	v0 =	vmul.f32 $8.000000000e+00, v4;
	v4 =	vld [tilespmem:s18+$0xC900]  }
.Ltmp1:
0x89: {  	[tilespmem:s18+$0x19020] =	vst v1;
	v1 =	vmul.f32 $8.000000000e+00, v6;
	v3 =	vld [tilespmem:s18+$0xC910];
	(pc) =	sbr.rel @p0 .LBB2_4-.Ltmp1, $4  }
0x8a: {  	[tilespmem:s18+$0x19030] =	vst v0;
	v5 =	vmul.f32 $8.000000000e+00, v5;
	v0 =	vld [tilespmem:s18+$0xC920]  }
0x8b: {  	[tilespmem:s18+$0x19080] =	vst v1;
	v7 =	vmul.f32 $8.000000000e+00, v8;
	v1 =	vld [tilespmem:s18+$0xC930]  }
0x8c: {  	[tilespmem:s18+$0x19090] =	vst v5;
	v6 =	vmul.f32 $8.000000000e+00, v2;
	v2 =	vld [tilespmem:s18+$0xC980]  }
0x8d: {  	s24 =	sadd.s32 $0x800, s24;
	[tilespmem:s18+$0x190A0] =	vst v7;
	v5 =	vmul.f32 $8.000000000e+00, v4;
	v4 =	vld [tilespmem:s18+$0xC990]  }
0x8e: {  	[tilespmem:s18+$0x190B0] =	vst v6;
	v3 =	vmul.f32 $8.000000000e+00, v3;
	v60 =	vld [tilespmem:s18+$0xC9A0]  }
0x8f: {  	[tilespmem:s18+$0x19100] =	vst v5;
	v0 =	vmul.f32 $8.000000000e+00, v0  }
0x90: {  	[tilespmem:s18+$0x19110] =	vst v3;
	v1 =	vmul.f32 $8.000000000e+00, v1  }
0x91: {  	[tilespmem:s18+$0x19120] =	vst v0;
	v61 =	vmul.f32 $8.000000000e+00, v2  }
0x92: {  	[tilespmem:s18+$0x19130] =	vst v1;
	v62 =	vmul.f32 $8.000000000e+00, v4  }
0x93: {  	[tilespmem:s18+$0x19180] =	vst v61;
	v63 =	vmul.f32 $8.000000000e+00, v60  }
0x94: {  	[tilespmem:s18+$0x19190] =	vst v62  }
0x95: {  	[tilespmem:s18+$0x191A0] =	vst v63;
	s18 =	simm.s32 $0x0  }
0x96: {  	[hbm4b:s8+s18] =	stream.linear.scatter [tilespmem:s28], [sflag:$0x4], $0x6400, $0x38;
	[tilespmem:$0x1F400] =	vst v63  }
0x97: {  	s7 =	simm.s32 $0x258  }
0x98: {  	[tilespmem:s19], [sflag:$0x2] =	stream.indirect.gather [hbm4b:s3+s14], $0x80, s7, s14, $0xb8;
	[tilespmem:$0x1F400] =	vst v63  }
0x99: {  	s30 =	simm.s32 $0x2D8  }
0x9a: {  	[tilespmem:s21], [sflag:$0x2] =	stream.indirect.gather [hbm4b:s3+s16], $0x80, s30, s16, $0xb8;
	[tilespmem:$0x1F400] =	vst v63  }
.LBB2_6:
0x9b: {  	_ =	swait.ge [sflag:s22], $0x4000  }
0x9c: {  	[sflag:s22] =	ssyncset.done $0x0  }
0x9d: {  	[sflag:s22] =	ssyncadd.s32 $0xFFFFC000  }
0x9e: {  	_ =	swait.ge [sflag:s22], $0x2400  }
0x9f: {  	[sflag:s22] =	ssyncset.done $0x0  }
0xa0: {  	[sflag:s22] =	ssyncadd.s32 $0xFFFFDC00  }
0xa1: {  	_ =	swait.ge [sflag:s31], $0x6400  }
0xa2: {  	[sflag:s31] =	ssyncset.done $0x0  }
0xa3: {  	s7 =	simm.s32 $0x6500;
	[sflag:s31] =	ssyncadd.s32 $0xFFFF9C00  }
0xa4: {  	v0 =	vld [tilespmem:s7+$0x80];
	_ =	sdelay $0x3  }
0xa5: {  	v1 =	vld [tilespmem:s7+$0xFFFFFF00]  }
0xa6: {  	v2 =	vld [tilespmem:s7+$0xFFFFFF80];
	v0 =	vmul.f32 $8.000000000e+00, v0  }
0xa7: {  	s20 =	simm.s32 $0x12D00;
	v3 =	vld [tilespmem:s7+$0x0]  }
0xa8: {  	[tilespmem:s20+$0x80] =	vst v0  }
0xa9: {  	v0 =	vld [tilespmem:s7+$0x90]  }
0xaa: {  	v1 =	vmul.f32 $8.000000000e+00, v1  }
0xab: {  	v2 =	vmul.f32 $8.000000000e+00, v2  }
0xac: {  	v3 =	vmul.f32 $8.000000000e+00, v3;
	[tilespmem:s20+$0xFFFFFF00] =	vst v1  }
0xad: {  	[tilespmem:s20+$0xFFFFFF80] =	vst v2;
	v1 =	vld [tilespmem:s7+$0xFFFFFF10]  }
0xae: {  	[tilespmem:s20+$0x0] =	vst v3;
	v2 =	vld [tilespmem:s7+$0xFFFFFF90];
	v0 =	vmul.f32 $8.000000000e+00, v0  }
0xaf: {  	s24 =	simm.s32 $0x6700;
	v3 =	vld [tilespmem:s7+$0x10]  }
0xb0: {  	[tilespmem:s20+$0x90] =	vst v0;
	v0 =	vld [tilespmem:s24+$0x80]  }
0xb1: {  	v4 =	vld [tilespmem:s7+$0xA0]  }
0xb2: {  	v5 =	vld [tilespmem:s24+$0xFFFFFF80];
	v1 =	vmul.f32 $8.000000000e+00, v1  }
0xb3: {  	v6 =	vld [tilespmem:s24+$0x0];
	v2 =	vmul.f32 $8.000000000e+00, v2  }
0xb4: {  	v3 =	vmul.f32 $8.000000000e+00, v3;
	[tilespmem:s20+$0xFFFFFF10] =	vst v1;
	v1 =	vld [tilespmem:s24+$0xFFFFFF00]  }
0xb5: {  	[tilespmem:s20+$0xFFFFFF90] =	vst v2;
	v2 =	vld [tilespmem:s7+$0xFFFFFF20];
	v0 =	vmul.f32 $8.000000000e+00, v0  }
0xb6: {  	s25 =	simm.s32 $0x12F00;
	[tilespmem:s20+$0x10] =	vst v3;
	v7 =	vld [tilespmem:s7+$0xFFFFFFA0];
	v3 =	vmul.f32 $8.000000000e+00, v4  }
0xb7: {  	v4 =	vmul.f32 $8.000000000e+00, v5;
	[tilespmem:s25+$0x80] =	vst v0;
	v0 =	vld [tilespmem:s7+$0x20]  }
0xb8: {  	v5 =	vmul.f32 $8.000000000e+00, v6;
	v6 =	vld [tilespmem:s24+$0x90];
	[tilespmem:s20+$0xA0] =	vst v3  }
0xb9: {  	v1 =	vmul.f32 $8.000000000e+00, v1;
	[tilespmem:s25+$0xFFFFFF80] =	vst v4;
	v8 =	vld [tilespmem:s7+$0xB0]  }
0xba: {  	v2 =	vmul.f32 $8.000000000e+00, v2;
	[tilespmem:s25+$0x0] =	vst v5;
	v9 =	vld [tilespmem:s24+$0xFFFFFF90]  }
0xbb: {  	[tilespmem:s25+$0xFFFFFF00] =	vst v1;
	v5 =	vmul.f32 $8.000000000e+00, v7;
	v3 =	vld [tilespmem:s24+$0x10]  }
0xbc: {  	v4 =	vld [tilespmem:s24+$0xFFFFFF10];
	[tilespmem:s20+$0xFFFFFF20] =	vst v2;
	v2 =	vmul.f32 $8.000000000e+00, v0  }
0xbd: {  	v1 =	vld [tilespmem:s7+$0xFFFFFF30];
	[tilespmem:s20+$0xFFFFFFA0] =	vst v5;
	v7 =	vmul.f32 $8.000000000e+00, v6  }
0xbe: {  	v0 =	vld [tilespmem:s7+$0xFFFFFFB0];
	[tilespmem:s20+$0x20] =	vst v2;
	v5 =	vmul.f32 $8.000000000e+00, v8  }
0xbf: {  	s29 =	simm.s32 $0x4;
	s30 =	simm.s32 $0x6900;
	v6 =	vmul.f32 $8.000000000e+00, v9;
	[tilespmem:s25+$0x90] =	vst v7;
	v2 =	vld [tilespmem:s7+$0x30]  }
.LBB2_7:
0xc0: {  	v7 =	vld [tilespmem:s30+$0x80];
	v3 =	vmul.f32 $8.000000000e+00, v3;
	[tilespmem:s20+$0xB0] =	vst v5  }
0xc1: {  	s29 =	sadd.s32 $0x4, s29;
	v4 =	vmul.f32 $8.000000000e+00, v4;
	[tilespmem:s25+$0xFFFFFF90] =	vst v6;
	v5 =	vld [tilespmem:s24+$0xA0]  }
0xc2: {  	p0 =	slt.u32 s29, $0xC4;
	v6 =	vld [tilespmem:s30+$0xFFFFFF80];
	[tilespmem:s25+$0x10] =	vst v3;
	v1 =	vmul.f32 $8.000000000e+00, v1  }
0xc3: {  	v3 =	vld [tilespmem:s30+$0x0];
	[tilespmem:s25+$0xFFFFFF10] =	vst v4;
	v0 =	vmul.f32 $8.000000000e+00, v0  }
0xc4: {  	v4 =	vld [tilespmem:s30+$0xFFFFFF00];
	[tilespmem:s20+$0xFFFFFF30] =	vst v1;
	v1 =	vmul.f32 $8.000000000e+00, v2  }
0xc5: {  	v2 =	vmul.f32 $8.000000000e+00, v7;
	v7 =	vld [tilespmem:s24+$0xFFFFFF20];
	[tilespmem:s20+$0xFFFFFFB0] =	vst v0  }
0xc6: {  	v0 =	vld [tilespmem:s24+$0xFFFFFFA0];
	v5 =	vmul.f32 $8.000000000e+00, v5;
	[tilespmem:s20+$0x30] =	vst v1;
	s20 =	smov.u32 s25;
	s25 =	sadd.s32 $0x200, s25  }
0xc7: {  	v1 =	vmul.f32 $8.000000000e+00, v6;
	[tilespmem:s25+$0x80] =	vst v2;
	v2 =	vld [tilespmem:s24+$0x20]  }
0xc8: {  	v3 =	vmul.f32 $8.000000000e+00, v3;
	v6 =	vld [tilespmem:s30+$0x90];
	[tilespmem:s20+$0xA0] =	vst v5  }
0xc9: {  	v4 =	vmul.f32 $8.000000000e+00, v4;
	[tilespmem:s25+$0xFFFFFF80] =	vst v1;
	v5 =	vld [tilespmem:s24+$0xB0]  }
0xca: {  	v8 =	vld [tilespmem:s30+$0xFFFFFF90];
	[tilespmem:s25+$0x0] =	vst v3;
	v1 =	vmul.f32 $8.000000000e+00, v7  }
.Ltmp2:
0xcb: {  	[tilespmem:s25+$0xFFFFFF00] =	vst v4;
	v3 =	vld [tilespmem:s30+$0x10];
	v0 =	vmul.f32 $8.000000000e+00, v0;
	(pc) =	sbr.rel @p0 .LBB2_7-.Ltmp2, $4  }
0xcc: {  	v4 =	vld [tilespmem:s30+$0xFFFFFF10];
	[tilespmem:s20+$0xFFFFFF20] =	vst v1;
	v2 =	vmul.f32 $8.000000000e+00, v2  }
0xcd: {  	v7 =	vmul.f32 $8.000000000e+00, v6;
	v1 =	vld [tilespmem:s24+$0xFFFFFF30];
	[tilespmem:s20+$0xFFFFFFA0] =	vst v0  }
0xce: {  	v0 =	vld [tilespmem:s24+$0xFFFFFFB0];
	[tilespmem:s20+$0x20] =	vst v2;
	v5 =	vmul.f32 $8.000000000e+00, v5  }
0xcf: {  	v6 =	vmul.f32 $8.000000000e+00, v8;
	[tilespmem:s25+$0x90] =	vst v7;
	v2 =	vld [tilespmem:s24+$0x30];
	s24 =	smov.u32 s30;
	s30 =	sadd.s32 $0x200, s30  }
0xd0: {  	_ = 	snop  }
0xd1: {  	v4 =	vmul.f32 $8.000000000e+00, v4;
	_ =	sdelay $0x1  }
0xd2: {  	v3 =	vmul.f32 $8.000000000e+00, v3;
	v7 =	vld [tilespmem:s24+$0xA0];
	[tilespmem:s25+$0xFFFFFF10] =	vst v4  }
0xd3: {  	[tilespmem:s25+$0xFFFFFF90] =	vst v6;
	v4 =	vld [tilespmem:s24+$0xFFFFFF20]  }
0xd4: {  	[tilespmem:s25+$0x10] =	vst v3;
	v3 =	vld [tilespmem:s24+$0xFFFFFFA0]  }
0xd5: {  	v6 =	vld [tilespmem:s24+$0x20];
	_ =	sdelay $0x1  }
0xd6: {  	v7 =	vmul.f32 $8.000000000e+00, v7  }
0xd7: {  	v4 =	vmul.f32 $8.000000000e+00, v4  }
0xd8: {  	[tilespmem:s25+$0xA0] =	vst v7;
	v3 =	vmul.f32 $8.000000000e+00, v3  }
0xd9: {  	v7 =	vld [tilespmem:s24+$0xB0];
	[tilespmem:s25+$0xFFFFFF20] =	vst v4;
	v4 =	vmul.f32 $8.000000000e+00, v6  }
0xda: {  	[tilespmem:s25+$0xFFFFFFA0] =	vst v3;
	v6 =	vld [tilespmem:s24+$0xFFFFFF30]  }
0xdb: {  	v1 =	vmul.f32 $8.000000000e+00, v1;
	v3 =	vld [tilespmem:s24+$0xFFFFFFB0];
	[tilespmem:s25+$0x20] =	vst v4  }
0xdc: {  	[tilespmem:s20+$0xB0] =	vst v5;
	v0 =	vmul.f32 $8.000000000e+00, v0;
	v4 =	vld [tilespmem:s24+$0x30]  }
0xdd: {  	[tilespmem:s20+$0xFFFFFF30] =	vst v1;
	v1 =	vmul.f32 $8.000000000e+00, v2  }
0xde: {  	s18 =	sadd.s32 $0x1, s18;
	[tilespmem:s20+$0xFFFFFFB0] =	vst v0;
	v0 =	vmul.f32 $8.000000000e+00, v7  }
0xdf: {  	[tilespmem:s20+$0x30] =	vst v1;
	s20 =	sshll.u32 s18, $0x1;
	v1 =	vmul.f32 $8.000000000e+00, v6  }
0xe0: {  	s7 =	sadd.s32 s5, s20;
	[tilespmem:s25+$0xB0] =	vst v0;
	v0 =	vmul.f32 $8.000000000e+00, v3  }
0xe1: {  	s7 =	smul.u32 $0xC80, s7;
	[tilespmem:s25+$0xFFFFFF30] =	vst v1;
	v1 =	vmul.f32 $8.000000000e+00, v4  }
0xe2: {  	[tilespmem:s25+$0xFFFFFFB0] =	vst v0  }
0xe3: {  	s7 =	sadd.s32 s4, s7;
	s24 =	simm.s32 $0x0;
	[tilespmem:s25+$0x30] =	vst v1;
	s25 =	smul.u32 $0x640, s18  }
0xe4: {  	[hbm4b:s7+s24] =	stream.linear.scatter [tilespmem:s23], [sflag:$0x3], $0x6400, $0x38;
	[tilespmem:$0x1F400] =	vst v63  }
0xe5: {  	s24 =	sshra.s32 s25, $0x2  }
0xe6: {  	s25 =	sadd.s32 $0x190, s24  }
0xe7: {  	[tilespmem:s15], [sflag:$0x1] =	stream.indirect.gather [hbm4b:s3+s14], $0x80, s25, s14, $0xb8;
	[tilespmem:$0x1F400] =	vst v63  }
0xe8: {  	s25 =	sadd.s32 $0x210, s24  }
0xe9: {  	[tilespmem:s17], [sflag:$0x1] =	stream.indirect.gather [hbm4b:s3+s16], $0x80, s25, s16, $0xb8;
	[tilespmem:$0x1F400] =	vst v63  }
0xea: {  	_ =	swait.ge [sflag:s26], $0x4000  }
0xeb: {  	[sflag:s26] =	ssyncset.done $0x0  }
0xec: {  	[sflag:s26] =	ssyncadd.s32 $0xFFFFC000  }
0xed: {  	_ =	swait.ge [sflag:s26], $0x2400  }
0xee: {  	[sflag:s26] =	ssyncset.done $0x0  }
0xef: {  	[sflag:s26] =	ssyncadd.s32 $0xFFFFDC00  }
0xf0: {  	_ =	swait.ge [sflag:s0], $0x6400  }
0xf1: {  	[sflag:s0] =	ssyncset.done $0x0  }
0xf2: {  	s25 =	simm.s32 $0x0;
	[sflag:s0] =	ssyncadd.s32 $0xFFFF9C00  }
0xf3: {  	v0 =	vld [tilespmem:s25+$0xC9B0]  }
0xf4: {  	v1 =	vld [tilespmem:s25+$0xC800]  }
0xf5: {  	v2 =	vld [tilespmem:s25+$0xC810]  }
0xf6: {  	v3 =	vld [tilespmem:s25+$0xC820]  }
0xf7: {  	v7 =	vld [tilespmem:s25+$0xC8A0]  }
0xf8: {  	v4 =	vld [tilespmem:s25+$0xC830]  }
0xf9: {  	v0 =	vmul.f32 $8.000000000e+00, v0  }
0xfa: {  	v5 =	vld [tilespmem:s25+$0xC880];
	v1 =	vmul.f32 $8.000000000e+00, v1  }
0xfb: {  	v6 =	vld [tilespmem:s25+$0xC890];
	v2 =	vmul.f32 $8.000000000e+00, v2;
	[tilespmem:s25+$0x191B0] =	vst v0  }
0xfc: {  	v8 =	vld [tilespmem:s25+$0xC8B0];
	v7 =	vmul.f32 $8.000000000e+00, v7;
	[tilespmem:s25+$0x19000] =	vst v1  }
0xfd: {  	v0 =	vmul.f32 $8.000000000e+00, v3;
	[tilespmem:s25+$0x19010] =	vst v2;
	v1 =	vmul.f32 $8.000000000e+00, v4;
	v4 =	vld [tilespmem:s25+$0xC900]  }
0xfe: {  	v3 =	vld [tilespmem:s25+$0xC910];
	[tilespmem:s25+$0x190A0] =	vst v7  }
0xff: {  	v2 =	vmul.f32 $8.000000000e+00, v5;
	[tilespmem:s25+$0x19020] =	vst v0;
	v0 =	vld [tilespmem:s25+$0xC920]  }
0x100: {  	v5 =	vmul.f32 $8.000000000e+00, v6;
	[tilespmem:s25+$0x19030] =	vst v1;
	v1 =	vld [tilespmem:s25+$0xC930]  }
0x101: {  	v6 =	vmul.f32 $8.000000000e+00, v8;
	[tilespmem:s25+$0x19080] =	vst v2;
	v2 =	vld [tilespmem:s25+$0xC980]  }
0x102: {  	s29 =	simm.s32 $0x0;
	s30 =	simm.s32 $0x800;
	[tilespmem:s25+$0x19090] =	vst v5;
	v5 =	vmul.f32 $8.000000000e+00, v4;
	v4 =	vld [tilespmem:s25+$0xC990]  }
.LBB2_9:
0x103: {  	s7 =	sshra.s32 s30, $0x2;
	s29 =	sadd.s32 $0x4, s29;
	[tilespmem:s25+$0x190B0] =	vst v6;
	v3 =	vmul.f32 $8.000000000e+00, v3;
	v6 =	vld [tilespmem:s25+$0xC9A0]  }
0x104: {  	v7 =	vld [tilespmem:s7+$0xC9B0];
	p0 =	slt.u32 s29, $0xC4;
	[tilespmem:s25+$0x19100] =	vst v5;
	v0 =	vmul.f32 $8.000000000e+00, v0  }
0x105: {  	v5 =	vld [tilespmem:s7+$0xC800];
	[tilespmem:s25+$0x19110] =	vst v3;
	v1 =	vmul.f32 $8.000000000e+00, v1  }
0x106: {  	v3 =	vld [tilespmem:s7+$0xC810];
	[tilespmem:s25+$0x19120] =	vst v0;
	v0 =	vmul.f32 $8.000000000e+00, v2  }
0x107: {  	v2 =	vld [tilespmem:s7+$0xC820];
	[tilespmem:s25+$0x19130] =	vst v1;
	v1 =	vmul.f32 $8.000000000e+00, v4  }
0x108: {  	v4 =	vld [tilespmem:s7+$0xC830];
	[tilespmem:s25+$0x19180] =	vst v0;
	v0 =	vmul.f32 $8.000000000e+00, v6  }
0x109: {  	v6 =	vld [tilespmem:s7+$0xC880];
	v7 =	vmul.f32 $8.000000000e+00, v7;
	[tilespmem:s25+$0x19190] =	vst v1  }
0x10a: {  	v1 =	vmul.f32 $8.000000000e+00, v5;
	v5 =	vld [tilespmem:s7+$0xC890];
	[tilespmem:s25+$0x191A0] =	vst v0;
	s25 =	smov.u32 s7  }
0x10b: {  	v0 =	vmul.f32 $8.000000000e+00, v3;
	v8 =	vld [tilespmem:s25+$0xC8A0];
	[tilespmem:s25+$0x191B0] =	vst v7  }
0x10c: {  	[tilespmem:s25+$0x19000] =	vst v1;
	v1 =	vmul.f32 $8.000000000e+00, v2;
	v2 =	vld [tilespmem:s25+$0xC8B0]  }
0x10d: {  	[tilespmem:s25+$0x19010] =	vst v0;
	v0 =	vmul.f32 $8.000000000e+00, v4;
	v4 =	vld [tilespmem:s25+$0xC900]  }
.Ltmp3:
0x10e: {  	[tilespmem:s25+$0x19020] =	vst v1;
	v1 =	vmul.f32 $8.000000000e+00, v6;
	v3 =	vld [tilespmem:s25+$0xC910];
	(pc) =	sbr.rel @p0 .LBB2_9-.Ltmp3, $4  }
0x10f: {  	[tilespmem:s25+$0x19030] =	vst v0;
	v5 =	vmul.f32 $8.000000000e+00, v5;
	v0 =	vld [tilespmem:s25+$0xC920]  }
0x110: {  	[tilespmem:s25+$0x19080] =	vst v1;
	v7 =	vmul.f32 $8.000000000e+00, v8;
	v1 =	vld [tilespmem:s25+$0xC930]  }
0x111: {  	[tilespmem:s25+$0x19090] =	vst v5;
	v6 =	vmul.f32 $8.000000000e+00, v2;
	v2 =	vld [tilespmem:s25+$0xC980]  }
0x112: {  	s30 =	sadd.s32 $0x800, s30;
	[tilespmem:s25+$0x190A0] =	vst v7;
	v5 =	vmul.f32 $8.000000000e+00, v4;
	v4 =	vld [tilespmem:s25+$0xC990]  }
0x113: {  	[tilespmem:s25+$0x190B0] =	vst v6;
	v3 =	vmul.f32 $8.000000000e+00, v3;
	v60 =	vld [tilespmem:s25+$0xC9A0]  }
0x114: {  	[tilespmem:s25+$0x19100] =	vst v5;
	v0 =	vmul.f32 $8.000000000e+00, v0  }
0x115: {  	[tilespmem:s25+$0x19110] =	vst v3;
	v1 =	vmul.f32 $8.000000000e+00, v1  }
0x116: {  	[tilespmem:s25+$0x19120] =	vst v0;
	v61 =	vmul.f32 $8.000000000e+00, v2  }
0x117: {  	s7 =	sadd.s32 s20, s9;
	[tilespmem:s25+$0x19130] =	vst v1;
	v62 =	vmul.f32 $8.000000000e+00, v4  }
0x118: {  	s7 =	smul.u32 $0xC80, s7;
	[tilespmem:s25+$0x19180] =	vst v61;
	v63 =	vmul.f32 $8.000000000e+00, v60  }
0x119: {  	[tilespmem:s25+$0x19190] =	vst v62  }
0x11a: {  	p0 =	sne.s32 s18, $0x3E;
	s7 =	sadd.s32 s4, s7;
	[tilespmem:s25+$0x191A0] =	vst v63  }
0x11b: {  	[hbm4b:s7+s2] =	stream.linear.scatter [tilespmem:s28], [sflag:$0x4], $0x6400, $0x38;
	[tilespmem:$0x1F400] =	vst v63  }
.Ltmp4:
0x11c: {  	_ = 	snop;
	(pc) =	sbr.rel @p0 .LBB2_6-.Ltmp4, $4  }
0x11d: {  	s29 =	sadd.s32 $0x258, s24  }
0x11e: {  	[tilespmem:s19], [sflag:$0x2] =	stream.indirect.gather [hbm4b:s3+s14], $0x80, s29, s14, $0xb8;
	[tilespmem:$0x1F400] =	vst v63  }
0x11f: {  	s30 =	sadd.s32 $0x2D8, s24  }
0x120: {  	[tilespmem:s21], [sflag:$0x2] =	stream.indirect.gather [hbm4b:s3+s16], $0x80, s30, s16, $0xb8;
	[tilespmem:$0x1F400] =	vst v63  }
0x121: {  	_ =	swait.ge [sflag:s22], $0x4000  }
0x122: {  	[sflag:s22] =	ssyncset.done $0x0  }
0x123: {  	[sflag:s22] =	ssyncadd.s32 $0xFFFFC000  }
0x124: {  	_ =	swait.ge [sflag:s22], $0x2400  }
0x125: {  	[sflag:s22] =	ssyncset.done $0x0  }
0x126: {  	[sflag:s22] =	ssyncadd.s32 $0xFFFFDC00  }
0x127: {  	_ =	swait.ge [sflag:s31], $0x6400  }
0x128: {  	[sflag:s31] =	ssyncset.done $0x0  }
0x129: {  	s7 =	simm.s32 $0x6500;
	[sflag:s31] =	ssyncadd.s32 $0xFFFF9C00  }
0x12a: {  	v0 =	vld [tilespmem:s7+$0x80];
	_ =	sdelay $0x3  }
0x12b: {  	v1 =	vld [tilespmem:s7+$0xFFFFFF00]  }
0x12c: {  	v2 =	vld [tilespmem:s7+$0xFFFFFF80];
	v0 =	vmul.f32 $8.000000000e+00, v0  }
0x12d: {  	s18 =	simm.s32 $0x12D00;
	v3 =	vld [tilespmem:s7+$0x0]  }
0x12e: {  	[tilespmem:s18+$0x80] =	vst v0  }
0x12f: {  	v0 =	vld [tilespmem:s7+$0x90]  }
0x130: {  	v1 =	vmul.f32 $8.000000000e+00, v1  }
0x131: {  	v2 =	vmul.f32 $8.000000000e+00, v2  }
0x132: {  	v3 =	vmul.f32 $8.000000000e+00, v3;
	[tilespmem:s18+$0xFFFFFF00] =	vst v1  }
0x133: {  	[tilespmem:s18+$0xFFFFFF80] =	vst v2;
	v1 =	vld [tilespmem:s7+$0xFFFFFF10]  }
0x134: {  	[tilespmem:s18+$0x0] =	vst v3;
	v2 =	vld [tilespmem:s7+$0xFFFFFF90];
	v0 =	vmul.f32 $8.000000000e+00, v0  }
0x135: {  	s20 =	simm.s32 $0x6700;
	v3 =	vld [tilespmem:s7+$0x10]  }
0x136: {  	[tilespmem:s18+$0x90] =	vst v0;
	v0 =	vld [tilespmem:s20+$0x80]  }
0x137: {  	v4 =	vld [tilespmem:s7+$0xA0]  }
0x138: {  	v5 =	vld [tilespmem:s20+$0xFFFFFF80];
	v1 =	vmul.f32 $8.000000000e+00, v1  }
0x139: {  	v6 =	vld [tilespmem:s20+$0x0];
	v2 =	vmul.f32 $8.000000000e+00, v2  }
0x13a: {  	v3 =	vmul.f32 $8.000000000e+00, v3;
	[tilespmem:s18+$0xFFFFFF10] =	vst v1;
	v1 =	vld [tilespmem:s20+$0xFFFFFF00]  }
0x13b: {  	[tilespmem:s18+$0xFFFFFF90] =	vst v2;
	v2 =	vld [tilespmem:s7+$0xFFFFFF20];
	v0 =	vmul.f32 $8.000000000e+00, v0  }
0x13c: {  	s24 =	simm.s32 $0x12F00;
	[tilespmem:s18+$0x10] =	vst v3;
	v7 =	vld [tilespmem:s7+$0xFFFFFFA0];
	v3 =	vmul.f32 $8.000000000e+00, v4  }
0x13d: {  	v4 =	vmul.f32 $8.000000000e+00, v5;
	[tilespmem:s24+$0x80] =	vst v0;
	v0 =	vld [tilespmem:s7+$0x20]  }
0x13e: {  	v5 =	vmul.f32 $8.000000000e+00, v6;
	v6 =	vld [tilespmem:s20+$0x90];
	[tilespmem:s18+$0xA0] =	vst v3  }
0x13f: {  	v1 =	vmul.f32 $8.000000000e+00, v1;
	[tilespmem:s24+$0xFFFFFF80] =	vst v4;
	v8 =	vld [tilespmem:s7+$0xB0]  }
0x140: {  	v2 =	vmul.f32 $8.000000000e+00, v2;
	[tilespmem:s24+$0x0] =	vst v5;
	v9 =	vld [tilespmem:s20+$0xFFFFFF90]  }
0x141: {  	[tilespmem:s24+$0xFFFFFF00] =	vst v1;
	v5 =	vmul.f32 $8.000000000e+00, v7;
	v3 =	vld [tilespmem:s20+$0x10]  }
0x142: {  	v4 =	vld [tilespmem:s20+$0xFFFFFF10];
	[tilespmem:s18+$0xFFFFFF20] =	vst v2;
	v2 =	vmul.f32 $8.000000000e+00, v0  }
0x143: {  	v1 =	vld [tilespmem:s7+$0xFFFFFF30];
	[tilespmem:s18+$0xFFFFFFA0] =	vst v5;
	v7 =	vmul.f32 $8.000000000e+00, v6  }
0x144: {  	v0 =	vld [tilespmem:s7+$0xFFFFFFB0];
	[tilespmem:s18+$0x20] =	vst v2;
	v5 =	vmul.f32 $8.000000000e+00, v8  }
0x145: {  	s25 =	simm.s32 $0x4;
	s29 =	simm.s32 $0x6900;
	v6 =	vmul.f32 $8.000000000e+00, v9;
	[tilespmem:s24+$0x90] =	vst v7;
	v2 =	vld [tilespmem:s7+$0x30]  }
.LBB2_12:
0x146: {  	v7 =	vld [tilespmem:s29+$0x80];
	v3 =	vmul.f32 $8.000000000e+00, v3;
	[tilespmem:s18+$0xB0] =	vst v5  }
0x147: {  	s25 =	sadd.s32 $0x4, s25;
	v4 =	vmul.f32 $8.000000000e+00, v4;
	[tilespmem:s24+$0xFFFFFF90] =	vst v6;
	v5 =	vld [tilespmem:s20+$0xA0]  }
0x148: {  	p0 =	slt.u32 s25, $0xC4;
	v6 =	vld [tilespmem:s29+$0xFFFFFF80];
	[tilespmem:s24+$0x10] =	vst v3;
	v1 =	vmul.f32 $8.000000000e+00, v1  }
0x149: {  	v3 =	vld [tilespmem:s29+$0x0];
	[tilespmem:s24+$0xFFFFFF10] =	vst v4;
	v0 =	vmul.f32 $8.000000000e+00, v0  }
0x14a: {  	v4 =	vld [tilespmem:s29+$0xFFFFFF00];
	[tilespmem:s18+$0xFFFFFF30] =	vst v1;
	v1 =	vmul.f32 $8.000000000e+00, v2  }
0x14b: {  	v2 =	vmul.f32 $8.000000000e+00, v7;
	v7 =	vld [tilespmem:s20+$0xFFFFFF20];
	[tilespmem:s18+$0xFFFFFFB0] =	vst v0  }
0x14c: {  	v0 =	vld [tilespmem:s20+$0xFFFFFFA0];
	v5 =	vmul.f32 $8.000000000e+00, v5;
	[tilespmem:s18+$0x30] =	vst v1;
	s18 =	smov.u32 s24;
	s24 =	sadd.s32 $0x200, s24  }
0x14d: {  	v1 =	vmul.f32 $8.000000000e+00, v6;
	[tilespmem:s24+$0x80] =	vst v2;
	v2 =	vld [tilespmem:s20+$0x20]  }
0x14e: {  	v3 =	vmul.f32 $8.000000000e+00, v3;
	v6 =	vld [tilespmem:s29+$0x90];
	[tilespmem:s18+$0xA0] =	vst v5  }
0x14f: {  	v4 =	vmul.f32 $8.000000000e+00, v4;
	[tilespmem:s24+$0xFFFFFF80] =	vst v1;
	v5 =	vld [tilespmem:s20+$0xB0]  }
0x150: {  	v8 =	vld [tilespmem:s29+$0xFFFFFF90];
	[tilespmem:s24+$0x0] =	vst v3;
	v1 =	vmul.f32 $8.000000000e+00, v7  }
.Ltmp5:
0x151: {  	[tilespmem:s24+$0xFFFFFF00] =	vst v4;
	v3 =	vld [tilespmem:s29+$0x10];
	v0 =	vmul.f32 $8.000000000e+00, v0;
	(pc) =	sbr.rel @p0 .LBB2_12-.Ltmp5, $4  }
0x152: {  	v4 =	vld [tilespmem:s29+$0xFFFFFF10];
	[tilespmem:s18+$0xFFFFFF20] =	vst v1;
	v2 =	vmul.f32 $8.000000000e+00, v2  }
0x153: {  	v7 =	vmul.f32 $8.000000000e+00, v6;
	v1 =	vld [tilespmem:s20+$0xFFFFFF30];
	[tilespmem:s18+$0xFFFFFFA0] =	vst v0  }
0x154: {  	v0 =	vld [tilespmem:s20+$0xFFFFFFB0];
	[tilespmem:s18+$0x20] =	vst v2;
	v5 =	vmul.f32 $8.000000000e+00, v5  }
0x155: {  	v6 =	vmul.f32 $8.000000000e+00, v8;
	[tilespmem:s24+$0x90] =	vst v7;
	v2 =	vld [tilespmem:s20+$0x30];
	s20 =	smov.u32 s29;
	s29 =	sadd.s32 $0x200, s29  }
0x156: {  	_ = 	snop  }
0x157: {  	v4 =	vmul.f32 $8.000000000e+00, v4;
	_ =	sdelay $0x1  }
0x158: {  	v3 =	vmul.f32 $8.000000000e+00, v3;
	v7 =	vld [tilespmem:s20+$0xA0];
	[tilespmem:s24+$0xFFFFFF10] =	vst v4  }
0x159: {  	[tilespmem:s24+$0xFFFFFF90] =	vst v6;
	v4 =	vld [tilespmem:s20+$0xFFFFFF20]  }
0x15a: {  	[tilespmem:s24+$0x10] =	vst v3;
	v3 =	vld [tilespmem:s20+$0xFFFFFFA0]  }
0x15b: {  	v6 =	vld [tilespmem:s20+$0x20];
	_ =	sdelay $0x1  }
0x15c: {  	v7 =	vmul.f32 $8.000000000e+00, v7  }
0x15d: {  	v4 =	vmul.f32 $8.000000000e+00, v4  }
0x15e: {  	[tilespmem:s24+$0xA0] =	vst v7;
	v3 =	vmul.f32 $8.000000000e+00, v3  }
0x15f: {  	v7 =	vld [tilespmem:s20+$0xB0];
	[tilespmem:s24+$0xFFFFFF20] =	vst v4;
	v4 =	vmul.f32 $8.000000000e+00, v6  }
0x160: {  	[tilespmem:s24+$0xFFFFFFA0] =	vst v3;
	v6 =	vld [tilespmem:s20+$0xFFFFFF30]  }
0x161: {  	v1 =	vmul.f32 $8.000000000e+00, v1;
	v3 =	vld [tilespmem:s20+$0xFFFFFFB0];
	[tilespmem:s24+$0x20] =	vst v4  }
0x162: {  	[tilespmem:s18+$0xB0] =	vst v5;
	v0 =	vmul.f32 $8.000000000e+00, v0;
	v4 =	vld [tilespmem:s20+$0x30]  }
0x163: {  	[tilespmem:s18+$0xFFFFFF30] =	vst v1;
	v1 =	vmul.f32 $8.000000000e+00, v2  }
0x164: {  	[tilespmem:s18+$0xFFFFFFB0] =	vst v0;
	v0 =	vmul.f32 $8.000000000e+00, v7  }
0x165: {  	[tilespmem:s18+$0x30] =	vst v1;
	v1 =	vmul.f32 $8.000000000e+00, v6  }
0x166: {  	[tilespmem:s24+$0xB0] =	vst v0;
	v0 =	vmul.f32 $8.000000000e+00, v3  }
0x167: {  	[tilespmem:s24+$0xFFFFFF30] =	vst v1;
	v1 =	vmul.f32 $8.000000000e+00, v4  }
0x168: {  	[tilespmem:s24+$0xFFFFFFB0] =	vst v0  }
0x169: {  	s7 =	simm.s32 $0x0;
	[tilespmem:s24+$0x30] =	vst v1  }
0x16a: {  	[hbm4b:s10+s7] =	stream.linear.scatter [tilespmem:s23], [sflag:$0x3], $0x6400, $0x38;
	[tilespmem:$0x1F400] =	vst v63  }
0x16b: {  	_ =	swait.ge [sflag:s26], $0x4000  }
0x16c: {  	[sflag:s26] =	ssyncset.done $0x0  }
0x16d: {  	[sflag:s26] =	ssyncadd.s32 $0xFFFFC000  }
0x16e: {  	_ =	swait.ge [sflag:s26], $0x2400  }
0x16f: {  	[sflag:s26] =	ssyncset.done $0x0  }
0x170: {  	[sflag:s26] =	ssyncadd.s32 $0xFFFFDC00  }
0x171: {  	_ =	swait.ge [sflag:s0], $0x6400  }
0x172: {  	[sflag:s0] =	ssyncset.done $0x0  }
0x173: {  	s18 =	simm.s32 $0x0;
	[sflag:s0] =	ssyncadd.s32 $0xFFFF9C00  }
0x174: {  	v0 =	vld [tilespmem:s18+$0xC9B0]  }
0x175: {  	v1 =	vld [tilespmem:s18+$0xC800]  }
0x176: {  	v2 =	vld [tilespmem:s18+$0xC810]  }
0x177: {  	v3 =	vld [tilespmem:s18+$0xC820]  }
0x178: {  	v7 =	vld [tilespmem:s18+$0xC8A0]  }
0x179: {  	v4 =	vld [tilespmem:s18+$0xC830]  }
0x17a: {  	v0 =	vmul.f32 $8.000000000e+00, v0  }
0x17b: {  	v5 =	vld [tilespmem:s18+$0xC880];
	v1 =	vmul.f32 $8.000000000e+00, v1  }
0x17c: {  	v6 =	vld [tilespmem:s18+$0xC890];
	v2 =	vmul.f32 $8.000000000e+00, v2;
	[tilespmem:s18+$0x191B0] =	vst v0  }
0x17d: {  	v8 =	vld [tilespmem:s18+$0xC8B0];
	v7 =	vmul.f32 $8.000000000e+00, v7;
	[tilespmem:s18+$0x19000] =	vst v1  }
0x17e: {  	v0 =	vmul.f32 $8.000000000e+00, v3;
	[tilespmem:s18+$0x19010] =	vst v2;
	v1 =	vmul.f32 $8.000000000e+00, v4;
	v4 =	vld [tilespmem:s18+$0xC900]  }
0x17f: {  	v3 =	vld [tilespmem:s18+$0xC910];
	[tilespmem:s18+$0x190A0] =	vst v7  }
0x180: {  	v2 =	vmul.f32 $8.000000000e+00, v5;
	[tilespmem:s18+$0x19020] =	vst v0;
	v0 =	vld [tilespmem:s18+$0xC920]  }
0x181: {  	v5 =	vmul.f32 $8.000000000e+00, v6;
	[tilespmem:s18+$0x19030] =	vst v1;
	v1 =	vld [tilespmem:s18+$0xC930]  }
0x182: {  	v6 =	vmul.f32 $8.000000000e+00, v8;
	[tilespmem:s18+$0x19080] =	vst v2;
	v2 =	vld [tilespmem:s18+$0xC980]  }
0x183: {  	s20 =	simm.s32 $0x0;
	s24 =	simm.s32 $0x800;
	[tilespmem:s18+$0x19090] =	vst v5;
	v5 =	vmul.f32 $8.000000000e+00, v4;
	v4 =	vld [tilespmem:s18+$0xC990]  }
.LBB2_14:
0x184: {  	s7 =	sshra.s32 s24, $0x2;
	s20 =	sadd.s32 $0x4, s20;
	[tilespmem:s18+$0x190B0] =	vst v6;
	v3 =	vmul.f32 $8.000000000e+00, v3;
	v6 =	vld [tilespmem:s18+$0xC9A0]  }
0x185: {  	v7 =	vld [tilespmem:s7+$0xC9B0];
	p0 =	slt.u32 s20, $0xC4;
	[tilespmem:s18+$0x19100] =	vst v5;
	v0 =	vmul.f32 $8.000000000e+00, v0  }
0x186: {  	v5 =	vld [tilespmem:s7+$0xC800];
	[tilespmem:s18+$0x19110] =	vst v3;
	v1 =	vmul.f32 $8.000000000e+00, v1  }
0x187: {  	v3 =	vld [tilespmem:s7+$0xC810];
	[tilespmem:s18+$0x19120] =	vst v0;
	v0 =	vmul.f32 $8.000000000e+00, v2  }
0x188: {  	v2 =	vld [tilespmem:s7+$0xC820];
	[tilespmem:s18+$0x19130] =	vst v1;
	v1 =	vmul.f32 $8.000000000e+00, v4  }
0x189: {  	v4 =	vld [tilespmem:s7+$0xC830];
	[tilespmem:s18+$0x19180] =	vst v0;
	v0 =	vmul.f32 $8.000000000e+00, v6  }
0x18a: {  	v6 =	vld [tilespmem:s7+$0xC880];
	v7 =	vmul.f32 $8.000000000e+00, v7;
	[tilespmem:s18+$0x19190] =	vst v1  }
0x18b: {  	v1 =	vmul.f32 $8.000000000e+00, v5;
	v5 =	vld [tilespmem:s7+$0xC890];
	[tilespmem:s18+$0x191A0] =	vst v0;
	s18 =	smov.u32 s7  }
0x18c: {  	v0 =	vmul.f32 $8.000000000e+00, v3;
	v8 =	vld [tilespmem:s18+$0xC8A0];
	[tilespmem:s18+$0x191B0] =	vst v7  }
0x18d: {  	[tilespmem:s18+$0x19000] =	vst v1;
	v1 =	vmul.f32 $8.000000000e+00, v2;
	v2 =	vld [tilespmem:s18+$0xC8B0]  }
0x18e: {  	[tilespmem:s18+$0x19010] =	vst v0;
	v0 =	vmul.f32 $8.000000000e+00, v4;
	v4 =	vld [tilespmem:s18+$0xC900]  }
.Ltmp6:
0x18f: {  	[tilespmem:s18+$0x19020] =	vst v1;
	v1 =	vmul.f32 $8.000000000e+00, v6;
	v3 =	vld [tilespmem:s18+$0xC910];
	(pc) =	sbr.rel @p0 .LBB2_14-.Ltmp6, $4  }
0x190: {  	[tilespmem:s18+$0x19030] =	vst v0;
	v5 =	vmul.f32 $8.000000000e+00, v5;
	v0 =	vld [tilespmem:s18+$0xC920]  }
0x191: {  	[tilespmem:s18+$0x19080] =	vst v1;
	v7 =	vmul.f32 $8.000000000e+00, v8;
	v1 =	vld [tilespmem:s18+$0xC930]  }
0x192: {  	[tilespmem:s18+$0x19090] =	vst v5;
	v6 =	vmul.f32 $8.000000000e+00, v2;
	v2 =	vld [tilespmem:s18+$0xC980]  }
0x193: {  	s24 =	sadd.s32 $0x800, s24;
	[tilespmem:s18+$0x190A0] =	vst v7;
	v5 =	vmul.f32 $8.000000000e+00, v4;
	v4 =	vld [tilespmem:s18+$0xC990]  }
0x194: {  	[tilespmem:s18+$0x190B0] =	vst v6;
	v3 =	vmul.f32 $8.000000000e+00, v3;
	v60 =	vld [tilespmem:s18+$0xC9A0]  }
0x195: {  	[tilespmem:s18+$0x19100] =	vst v5;
	v0 =	vmul.f32 $8.000000000e+00, v0  }
0x196: {  	[tilespmem:s18+$0x19110] =	vst v3;
	v1 =	vmul.f32 $8.000000000e+00, v1  }
0x197: {  	[tilespmem:s18+$0x19120] =	vst v0;
	v61 =	vmul.f32 $8.000000000e+00, v2  }
0x198: {  	[tilespmem:s18+$0x19130] =	vst v1;
	v62 =	vmul.f32 $8.000000000e+00, v4  }
0x199: {  	[tilespmem:s18+$0x19180] =	vst v61;
	v63 =	vmul.f32 $8.000000000e+00, v60  }
0x19a: {  	[tilespmem:s18+$0x19190] =	vst v62  }
0x19b: {  	s1 =	sadd.s32 $0x1, s1;
	[tilespmem:s18+$0x191A0] =	vst v63  }
0x19c: {  	[hbm4b:s11+s2] =	stream.linear.scatter [tilespmem:s28], [sflag:$0x4], $0x6400, $0x38;
	[tilespmem:$0x1F400] =	vst v63  }
0x19d: {  	p0 =	sne.s32 s1, s12;
	_ =	swait.ge [sflag:s31], $0x6400  }
.Ltmp7:
0x19e: {  	[sflag:s31] =	ssyncset.done $0x0;
	(pc) =	sbr.rel @p0 .LBB2_1-.Ltmp7, $4  }
0x19f: {  	[sflag:s31] =	ssyncadd.s32 $0xFFFF9C00  }
0x1a0: {  	_ =	swait.ge [sflag:s0], $0x6400  }
0x1a1: {  	[sflag:s0] =	ssyncset.done $0x0  }
0x1a2: {  	[sflag:s0] =	ssyncadd.s32 $0xFFFF9C00  }
0x1a3: {  	_ =	sfence.sel $0x180000  }
0x1a4: {  	[bflag:$0x0] =	sbarrier.arrive $0xFFFF  }
0x1a5: {  	_ =	strace $0x90000047  }
0x1a6: {  	s0 =	stileid.u32;
	[bflag:$0x2] =	sbarrier.arrive $0xFFFF  }
0x1a7: {  	p0 =	sne.s32 s0, $0x0;
	s0 =	rddreg [dreg:$0x2]  }
0x1a8: {  	s0 =	sadd.s32 @!p0 $0x100000, s0  }
0x1a9: {  	[sflag:s0] =	ssyncadd.tile.s32 @!p0 $0x1;
	_ =	shalt  }
.Lfunc_end2:
_tile_overlayer_lowered:
.L_overlay_start_2:
0x1aa: {  	(tag) =	ssettag $0x2  }
0x1ab: {  	s0 =	rddreg [dreg:$0x0];
	s2 =	stileid.u32  }
0x1ac: {  	s1 =	rddreg [dreg:$0x1];
	p0 =	sne.s32 s2, $0x0  }
0x1ad: {  	s3 =	rddreg [dreg:$0x2];
	[bflag:$0x3] =	sbarrier.arrive $0xFFFF;
	s2 =	simm.s32 @!p0 $0x1C05  }
0x1ae: {  	[timem:s3], [sflag:s2] =	dma.local @!p0 [hbm:s0], s1  }
0x1af: {  	s0 =	simm.s32 @!p0 $0x5  }
0x1b0: {  	_ =	swait.ge @!p0 [sflag:s0], s1  }
0x1b1: {  	s1 =	ssub.s32 @!p0 $0x0, s1;
	[sflag:s0] =	ssyncset.done @!p0 $0x0  }
0x1b2: {  	[sflag:s0] =	ssyncadd.s32 @!p0 s1  }
0x1b3: {  	[bflag:$0x3] =	sbarrier.arrive $0xFFFF  }
0x1b4: {  	_ =	shalt  }

// kernel: sparse-core-data-format-call.cloned.1.call-start
scs
called_computation_lowered:
.L_overlay_start_0:
0x0: {  	s2 =	sld [smem:$0x3FD9]  }
0x1: {  	s3 =	sld [smem:$0x3FFE];
	_ =	sdelay $0x1  }
0x2: {  	s1 =	srdreg.scid  }
0x3: {  	s0 =	sand.u32 $0x1, s1  }
0x4: {  	s18 =	sshll.u32 s0, $0xA;
	s2 =	sadd.s32 s3, s2  }
0x5: {  	s2 =	sadd.s32 s2, s18  }
0x6: {  	[smem:$0x3FC6] =	sst s2  }
0x7: {  	_ = 	snop  }
0x8: {  	s2 =	sld [smem:$0x3FD0];
	(tm) =	ssettm $0x1  }
0x9: {  	s19 =	sld [smem:$0x3FFB];
	_ =	sdelay $0x3  }
0xa: {  	_ =	strace s19  }
0xb: {  	s3 =	sld [smem:$0x3FFC];
	_ =	sdelay $0x3  }
0xc: {  	_ =	strace s3  }
0xd: {  	s3 =	sld [smem:$0x3FFD];
	_ =	sdelay $0x3  }
0xe: {  	_ =	strace s3  }
0xf: {  	_ =	strace $0x8FFFFFFF  }
0x10: {  	s20 =	sld [smem:$0x3FDB];
	_ =	sdelay $0x1  }
0x11: {  	s4 =	simm.s32 $_scs_section_size  }
0x12: {  	s5 =	simm.s32 $_size__tile_overlayer_lowered;
	s6 =	simm.s32 $_tile_overlayer_lowered  }
0x13: {  	s23 =	simm.s32 $0x1BFF;
	s22 =	sshll.u32 s6, $0x1;
	s3 =	sadd.s32 s4, s20  }
0x14: {  	s7 =	simm.s32 $0x0;
	s21 =	sshll.u32 s5, $0x1;
	s5 =	sadd.s32 s22, s3  }
0x15: {  	[timem:s7], [sflag:s23] =	dma.local [hbm:s5], s21  }
0x16: {  	_ =	swait.ge [sflag:s23], s21  }
0x17: {  	s4 =	ssub.s32 $0x0, s21;
	[sflag:s23] =	ssyncset.done $0x0  }
0x18: {  	[sflag:s23] =	ssyncadd.s32 s4;
	_ =	sdelay $0x1  }
0x19: {  	s24 =	simm.s32 $0x1B8B  }
0x1a: {  	_ =	swait.ge [sflag:s24], $0x1  }
0x1b: {  	[sflag:s24] =	ssyncset.done $0x0  }
0x1c: {  	s26 =	simm.s32 $0x1B8E;
	s25 =	sld [smem:$0x3FFE];
	[sflag:s24] =	ssyncadd.s32 $0xFFFFFFFF  }
0x1d: {  	s27 =	simm.s32 $execute0_lowered;
	[smem:$0x3FD2] =	sst s26  }
0x1e: {  	s5 =	sshll.u32 s27, $0x1;
	_ =	strace $0x80000049;
	[dreg:$0x1] =	wrdreg $0xFFFFFFFF  }
0x1f: {  	s28 =	simm.s32 $_size_execute0_lowered;
	s3 =	sadd.s32 s3, s5;
	[dreg:$0x0] =	wrdreg $0x0  }
0x20: {  	s5 =	sshll.u32 s28, $0x1;
	[dreg:$0x2] =	wrdreg s3  }
0x21: {  	[dreg:$0x3] =	wrdreg s5  }
0x22: {  	[dreg:$0x4] =	wrdreg $0xC0  }
0x23: {  	_ =	task [dreg:s7], $0x5FFFF  }
0x24: {  	[dreg:$0x1] =	wrdreg $0xFFFFFFFF  }
0x25: {  	[dreg:$0x0] =	wrdreg $0x60  }
0x26: {  	[dreg:$0x2] =	wrdreg s25  }
0x27: {  	[dreg:$0x3] =	wrdreg s2  }
0x28: {  	[dreg:$0x4] =	wrdreg $0x9  }
0x29: {  	_ =	task.clear_ibuf [dreg:s7], $0x5FFFF;
	_ =	strace $0x90000049  }
0x2a: {  	s29 =	simm.s32 $0x9;
	_ =	strace $0x8000004B  }
0x2b: {  	_ =	swait.ge [sflag:s29], $0x1  }
0x2c: {  	[sflag:s29] =	ssyncadd.s32 $0xFFFFFFFF  }
0x2d: {  	_ =	strace $0x9000004B  }
0x2e: {  	_ =	sfence  }
0x2f: {  	s30 =	sld [smem:$0x0];
	_ =	sdelay $0x2  }
0x30: {  	s31 =	sshll.u32 s1, $0xD;
	s1 =	sshrl.u32 s1, $0x2  }
0x31: {  	s3 =	sand.u32 $0x4000, s31;
	s1 =	sadd.s32 s1, s30  }
0x32: {  	s0 =	sor.u32 s3, s0;
	s1 =	sshll.u32 s1, $0x11  }
0x33: {  	s0 =	sor.u32 s1, s0  }
0x34: {  	s0 =	sadd.s32 $0x8F2B, s0  }
0x35: {  	[sflag:s0] =	ssyncadd.remote.s32 $0x1  }
0x36: {  	_ =	sfence.sel $0xFFFF  }
0x37: {  	[dreg:$0x0] =	wrdreg $0xFFFFFFFF;
	(pc) =	sbr.abs _section_cstart, $3  }
0x38: {  	[dreg:$0x1] =	wrdreg $0xFFFFFFFF  }
0x39: {  	_ =	task.clear_ibuf [dreg:s7], $0x2FFFF;
	_ =	strace $0x9FFFFFFF  }
0x3a: {  	(tm) =	ssettm $0x7FFFFFFF  }
0x3b: {  	_ =	shalt  }
tec
execute0_lowered:
.L_overlay_start_1:
0x0: {  	(tag) =	ssettag $0x1  }
0x1: {  	s0 =	srdreg.scid  }
0x2: {  	s1 =	sshll.u32 s0, $0x4  }
0x3: {  	s0 =	stileid.u32;
	s1 =	sand.u32 $0x10, s1  }
0x4: {  	s1 =	sor.u32 s0, s1  }
0x5: {  	s6 =	rddreg [dreg:$0x0];
	s4 =	simm.s32 $0x1;
	s2 =	sshll.u32 s1, $0x7  }
0x6: {  	s7 =	simm.s32 $0x2;
	s12 =	simm.s32 $0x0;
	s1 =	ssub.s32 $0x1000, s2  }
0x7: {  	s8 =	simm.s32 $0x8000;
	s13 =	simm.s32 $0x0;
	s3 =	sand.u32 $0xF80, s1  }
0x8: {  	s9 =	simm.s32 $0x0;
	s5 =	sshrl.u32 s1, $0xC;
	p0 =	sne.s32 s3, $0x0  }
.Ltmp0:
0x9: {  	s1 =	rddreg [dreg:$0x2];
	s4 =	simm.s32 @!p0 $0x0;
	(pc) =	sbr.rel .LBB1_1-.Ltmp0, $4  }
0xa: {  	s11 =	simm.s32 $0x0;
	s3 =	rddreg [dreg:$0x1];
	s5 =	sadd.s32 s4, s5  }
0xb: {  	_ =	strace $0x8000004A;
	s4 =	simm.s32 $0x1;
	s5 =	smul.u32 $0xC8, s5  }
0xc: {  	s6 =	sadd.s32 $0xA00, s6;
	s10 =	smov.u32 s2;
	[sflag:s4] =	ssyncpa.u1 $0x0  }
0xd: {  	p0 =	por $0x0, $0x0;
	[sflag:s7] =	ssyncpa.u1 $0x0;
	s7 =	sor.u32 $0x1, s5  }
.LBB1_4:
0xe: {  	s16 =	sshll.u32 s13, $0x3;
	s17 =	sand.u32 $0x78, s13  }
0xf: {  	s30 =	sand.u32 $0x7E00, s13;
	s12 =	sshll.u32 s12, $0xF;
	s16 =	sand.u32 $0xC00, s16  }
0x10: {  	[tilespmem:s15+$0x810 ss:$0x81] =	vst.msk $0xffff, v2;
	s31 =	sand.u32 $0x7, s13;
	s16 =	sor.u32 s17, s16;
	s17 =	sadd.s32 s3, s30  }
0x11: {  	[tilespmem:s15+$0x1020 ss:$0x81] =	vst.msk $0xffff, v0;
	s13 =	sshll.u32 s31, $0x12;
	s12 =	sadd.s32 s12, s17;
	s16 =	sshrl.u32 s16, $0x3  }
0x12: {  	[tilespmem:s15+$0x0 ss:$0x81] =	vst.msk $0xffff, v1;
	s13 =	sor.u32 $0x400, s13;
	s12 =	sadd.s32 s16, s12  }
0x13: {  	[hbm4b:s12+s13] =	stream.strided.scatter [tilespmem:s14], [sflag:$0x2], $0x2000, s8, s13, $0x20;
	[tilespmem:$0x8080] =	vst v63  }
.LBB1_5:
0x14: {  	s14 =	sadd.s32 $0x1, s9  }
0x15: {  	s12 =	sadd.s32 $0x1000, s10;
	s16 =	smov.u32 s10;
	p2 =	sgt.s32 s14, $0xC7  }
0x16: {  	s16 =	smov.u32 @p2 s12  }
0x17: {  	s14 =	simm.s32 @p2 $0x0;
	p2 =	sgt.s32 s16, $0xFFF  }
0x18: {  	s16 =	smov.u32 @p2 s2;
	p2 =	sne.s32 s11, s7  }
.Ltmp1:
0x19: {  	p1 =	slt.u32 s11, $0x2;
	(pc) =	sbr.rel @!p2 .LBB1_6-.Ltmp1, $4  }
0x1a: {  	s15 =	simm.s32 @!p1 $0x2  }
0x1b: {  	s13 =	smov.u32 s10;
	p0 =	por !p0, !p0;
	_ =	swait.ge @!p1 [sflag:s15], $0x2000  }
0x1c: {  	s12 =	smov.u32 s9;
	[sflag:s15] =	ssyncset.done @!p1 $0x0;
	s9 =	smov.u32 s14  }
0x1d: {  	s11 =	sadd.s32 $0x1, s11;
	[sflag:s15] =	ssyncadd.s32 @!p1 $0xFFFFE000;
	s10 =	smov.u32 s16  }
.LBB1_1:
0x1e: {  	p1 =	sge.u32 s11, s5  }
0x1f: {  	s14 =	sand.u32 @!p1 $0x1FFFFFF, s9  }
0x20: {  	s15 =	smulhi.u32 @!p1 $0x147AE15, s14;
	_ =	sdelay $0x1  }
0x21: {  	s15 =	smul.u32 @!p1 $0xC8, s15  }
0x22: {  	s16 =	sxor.u32 @!p1 $0xFFFFFFFF, s11;
	s17 =	smul.u32 @!p1 $0xC80, s10  }
0x23: {  	s31 =	sadd.s32 $0xFFFFFFFF, s11;
	s16 =	sshll.u32 @!p1 s16, $0xD;
	s14 =	ssub.s32 @!p1 s14, s15  }
0x24: {  	s15 =	sand.u32 @!p1 $0x2000, s16;
	s16 =	sadd.s32 @!p1 s6, s17;
	s14 =	sshll.u32 @!p1 s14, $0x4  }
0x25: {  	s17 =	simm.s32 @!p1 $0x6400;
	s14 =	sadd.s32 @!p1 s14, s16;
	s16 =	simm.s32 @!p1 $0x40  }
0x26: {  	[tilespmem:s15], [sflag:$0x1] =	stream.strided.gather @!p1 [hbm4b:s14+s16], $0x2000, s17, s16, $0x38;
	[tilespmem:$0x8080] =	vst v63  }
0x27: {  	p1 =	sge.u32 s31, s5  }
.Ltmp2:
0x28: {  	_ = 	snop;
	(pc) =	sbr.rel @p1 .LBB1_5-.Ltmp2, $1  }
0x29: {  	_ =	sdelay $0x3  }
0x2a: {  	s14 =	simm.s32 $0x1  }
0x2b: {  	_ =	swait.ge [sflag:s4], $0x2000;
	s14 =	simm.s32 @!p0 $0x0  }
0x2c: {  	[sflag:s4] =	ssyncset.done $0x0;
	s15 =	sshll.u32 s14, $0xD  }
0x2d: {  	[sflag:s4] =	ssyncadd.s32 $0xFFFFE000;
	s18 =	sor.u32 $0x20, s15  }
0x2e: {  	s14 =	smul.u32 $0x8100, s14;
	v3 =	vld [tilespmem:s18+$0x10]  }
0x2f: {  	s30 =	sand.u32 $0x1, s11;
	v2 =	vld [tilespmem:s18+$0xFFFFFFF0]  }
0x30: {  	s15 =	smul.u32 $0x8100, s30;
	s14 =	sshrl.u32 s14, $0x2;
	v0 =	vld [tilespmem:s18+$0x0]  }
0x31: {  	v1 =	vld [tilespmem:s18+$0xFFFFFFE0];
	s16 =	sor.u32 $0x4000, s14  }
0x32: {  	s31 =	sshrl.u32 s15, $0x2;
	s15 =	sadd.s32 $0x0, s16  }
0x33: {  	s17 =	simm.s32 $0x4;
	s18 =	sadd.s32 $0x40, s18;
	s14 =	sor.u32 $0x4000, s31;
	[tilespmem:s15+$0x1830 ss:$0x81] =	vst.msk $0xffff, v3  }
.LBB1_3:
0x34: {  	v3 =	vld [tilespmem:s18+$0x10];
	p1 =	sne.s32 s17, $0x1FC;
	[tilespmem:s15+$0x810 ss:$0x81] =	vst.msk $0xffff, v2;
	s19 =	smov.u32 s17;
	s17 =	sadd.s32 $0x4, s17  }
.Ltmp3:
0x35: {  	v2 =	vld [tilespmem:s18+$0xFFFFFFF0];
	[tilespmem:s15+$0x1020 ss:$0x81] =	vst.msk $0xffff, v0;
	(pc) =	sbr.rel @p1 .LBB1_3-.Ltmp3, $4  }
0x36: {  	v0 =	vld [tilespmem:s18+$0x0];
	[tilespmem:s15+$0x0 ss:$0x81] =	vst.msk $0xffff, v1  }
0x37: {  	s15 =	sshra.s32 s19, $0x2;
	v1 =	vld [tilespmem:s18+$0xFFFFFFE0]  }
0x38: {  	s15 =	sadd.s32 s15, s16  }
0x39: {  	s18 =	sadd.s32 $0x40, s18;
	[tilespmem:s15+$0x1830 ss:$0x81] =	vst.msk $0xffff, v3  }
.Ltmp4:
0x3a: {  	_ = 	snop;
	(pc) =	sbr.rel .LBB1_4-.Ltmp4, $1  }
0x3b: {  	_ =	sdelay $0x3  }
.LBB1_6:
0x3c: {  	_ =	sfence.sel $0x180000  }
0x3d: {  	s2 =	simm.s32 $0x1;
	[bflag:$0x0] =	sbarrier.arrive $0xFFFF  }
0x3e: {  	s31 =	simm.s32 $0x2;
	[sflag:s2] =	ssyncpa.u1 $0x1  }
0x3f: {  	[sflag:s31] =	ssyncpa.u1 $0x1  }
0x40: {  	p0 =	sne.s32 s0, $0x0;
	_ =	strace $0x9000004A  }
0x41: {  	s0 =	sadd.s32 @!p0 $0x100000, s1;
	[bflag:$0x2] =	sbarrier.arrive $0xFFFF  }
0x42: {  	[sflag:s0] =	ssyncadd.tile.s32 @!p0 $0x1;
	_ =	shalt  }
.Lfunc_end1:
_tile_overlayer_lowered:
.L_overlay_start_2:
0x43: {  	(tag) =	ssettag $0x2  }
0x44: {  	s0 =	rddreg [dreg:$0x0];
	s2 =	stileid.u32  }
0x45: {  	s1 =	rddreg [dreg:$0x1];
	p0 =	sne.s32 s2, $0x0  }
0x46: {  	s3 =	rddreg [dreg:$0x2];
	[bflag:$0x3] =	sbarrier.arrive $0xFFFF;
	s2 =	simm.s32 @!p0 $0x1C01  }
0x47: {  	[timem:s3], [sflag:s2] =	dma.local @!p0 [hbm:s0], s1  }
0x48: {  	s0 =	simm.s32 @!p0 $0x1  }
0x49: {  	_ =	swait.ge @!p0 [sflag:s0], s1  }
0x4a: {  	s1 =	ssub.s32 @!p0 $0x0, s1;
	[sflag:s0] =	ssyncset.done @!p0 $0x0  }
0x4b: {  	[sflag:s0] =	ssyncadd.s32 @!p0 s1  }
0x4c: {  	[bflag:$0x3] =	sbarrier.arrive $0xFFFF  }
0x4d: {  	_ =	shalt  }

</sc_bundles>
